<compile_context>
chip_gen: v7x
topology: tpu7x:2x2x1
jax: 0.10.2.dev20260603
libtpu: 0.0.44.dev20260713+nightly
codegen_flags: <defaults>
</compile_context>

<pallas_src>
import functools

import jax
import jax.numpy as jnp
from jax import lax
from jax.experimental import pallas as pl
from jax.experimental.pallas import tpu as pltpu
from jax.experimental.pallas import tpu_sc as plsc

N = 10000
E = 160000
D_IN = 256
D_OUT = 256
CH = 64
NCHUNK = D_OUT // CH
NC = 2
NPASS = NCHUNK // NC
NT = 16
EPT = E // NT
BK = 40
NB = EPT // BK
RPT = N // NT
ZR = 125
LANES = 16


_BM = 1000


def _mm_body(x_ref, w_ref, b_ref, o_ref):
    h = lax.dot_general(
        x_ref[...], w_ref[...],
        (((1,), (1,)), ((), ())),
        preferred_element_type=jnp.float32,
    )
    o_ref[...] = (h + b_ref[0])[None]


def _matmul(x, w, b2):
    return pl.pallas_call(
        _mm_body,
        grid=(NCHUNK, N // _BM),
        in_specs=[
            pl.BlockSpec((_BM, D_IN), lambda c, i: (i, 0)),
            pl.BlockSpec((CH, D_IN), lambda c, i: (c, 0)),
            pl.BlockSpec((1, 1, CH), lambda c, i: (c, 0, 0)),
        ],
        out_specs=pl.BlockSpec((1, _BM, CH), lambda c, i: (c, i, 0)),
        out_shape=jax.ShapeDtypeStruct((NCHUNK, N, CH), jnp.float32),
    )(x, w, b2)



_mesh = plsc.VectorSubcoreMesh(core_axis_name="c", subcore_axis_name="s")


@functools.partial(
    pl.kernel,
    out_type=jax.ShapeDtypeStruct((N, NCHUNK, CH), jnp.float32),
    mesh=_mesh,
    compiler_params=pltpu.CompilerParams(
        needs_layout_passes=False, use_tc_tiling_on_sc=False),
    scratch_types=[
        pltpu.VMEM((NB, BK), jnp.int32),
        pltpu.VMEM((NB, BK), jnp.int32),
        pltpu.VMEM((EPT,), jnp.float32),
        pltpu.VMEM((2, BK, CH), jnp.float32),
        pltpu.VMEM((ZR, CH), jnp.float32),
        pltpu.VMEM_SHARED((N, CH), jnp.float32),
        pltpu.SemaphoreType.DMA,
        pltpu.SemaphoreType.DMA,
    ],
)
def _sc_spmm(hblk, src3, dst3, w2, out, srcv, dstv, wv, msg, zbuf, acc,
             gsem0, gsem1):
    cid = lax.axis_index("c")
    sid = lax.axis_index("s")
    gsems = (gsem0, gsem1)

    pltpu.sync_copy(src3.at[sid], srcv)
    pltpu.sync_copy(dst3.at[sid], dstv)
    pltpu.sync_copy(w2.at[sid], wv)

    def _zrow(i, _):
        def _zg(g, _):
            zbuf[i, pl.ds(g * LANES, LANES)] = jnp.zeros((LANES,), jnp.float32)
            return 0
        return lax.fori_loop(0, CH // LANES, _zg, 0)
    lax.fori_loop(0, ZR, _zrow, 0)

    for p in range(NPASS):
        chunk = cid * NPASS + p
        hc = hblk.at[chunk]

        def _zcp(i, _):
            pltpu.sync_copy(zbuf, acc.at[pl.ds(sid * RPT + i * ZR, ZR)])
            return 0
        lax.fori_loop(0, RPT // ZR, _zcp, 0)

        plsc.subcore_barrier()

        pltpu.async_copy(hc.at[srcv.at[0]], msg.at[0], gsem0)

        def _pair(jj, _):
            for b in range(2):
                j = jj * 2 + b
                pltpu.make_async_copy(hc.at[srcv.at[j]], msg.at[b],
                                      gsems[b]).wait()

                @pl.when(j + 1 < NB)
                def _():
                    pltpu.async_copy(hc.at[srcv.at[j + 1]], msg.at[1 - b],
                                     gsems[1 - b])

                def _scale(e, _):
                    wbc = plsc.load_gather(
                        wv, [jnp.full((LANES,), j * BK + e, jnp.int32)])
                    for g in range(CH // LANES):
                        sl = pl.ds(g * LANES, LANES)
                        msg[b, e, sl] = msg[b, e, sl] * wbc
                    return 0
                lax.fori_loop(0, BK, _scale, 0)

                pltpu.sync_copy(msg.at[b], acc.at[dstv.at[j]], add=True)
            return 0

        lax.fori_loop(0, NB // 2, _pair, 0)

        plsc.subcore_barrier()

        pltpu.sync_copy(acc.at[pl.ds(sid * RPT, RPT)],
                        out.at[pl.ds(sid * RPT, RPT), chunk])


def kernel(x, edge_index, edge_weight, W, b):
    hblk = _matmul(x, W, b.reshape(NCHUNK, 1, CH))
    src3 = edge_index[1].reshape(NT, NB, BK)
    dst3 = edge_index[0].reshape(NT, NB, BK)
    w2 = edge_weight.reshape(NT, EPT)
    out = _sc_spmm(hblk, src3, dst3, w2)
    return out.reshape(N, D_OUT)

# --- scband reference (transcript-rebuilt; emitter-appended) ---
"""Pipeline reference for scband-gcnconv-29978871726565 (READ-ONLY COPY).

The authoritative reference and input builder live on the scoring server;
editing this copy changes nothing except your own understanding.
"""

import jax, jax.numpy as jnp
import numpy as np

N = 10000
E = 160000
D_IN = 256
D_OUT = 256


def setup_inputs(seed: int = 0) -> dict:
    key = jax.random.key(seed)
    k1, k2, k3, k4 = jax.random.split(key, 4)
    x = jax.random.normal(k1, (N, D_IN), dtype=jnp.float32)
    edge_index = jax.random.randint(k2, (2, E), 0, N, dtype=jnp.int32)
    edge_weight = jax.random.uniform(k3, (E,), dtype=jnp.float32)
    # xavier_normal_ with gain = calculate_gain('relu') = sqrt(2)
    gain = np.sqrt(2.0)
    std = gain * np.sqrt(2.0 / (D_IN + D_OUT))
    W = jax.random.normal(k4, (D_OUT, D_IN), dtype=jnp.float32) * std
    b = jnp.zeros((D_OUT,), dtype=jnp.float32)
    return {"x": x, "edge_index": edge_index, "edge_weight": edge_weight, "W": W, "b": b}


def reference(x, edge_index, edge_weight, W, b):
    # x = self.linear(x)
    h = x @ W.T + b
    # x = torch.spmm(adj, x): adj is sparse COO with rows=edge_index[0], cols=edge_index[1], vals=edge_weight
    dst = edge_index[0]
    src = edge_index[1]
    msg = h[src] * edge_weight[:, None]
    out = jax.ops.segment_sum(msg, dst, num_segments=N)
    # activation is None, dropout flag is False -> identity
    return out

if __name__ == "__main__":
    import jax
    _d = setup_inputs()
    print(jax.jit(kernel)(*tuple(_d.values())))

</pallas_src>

<mosaic_0001>
#map = affine_map<(d0, d1) -> (0, 0, 0)>
#map1 = affine_map<(d0, d1) -> (0, 0)>
module attributes {stable_mosaic.version = 14 : i64} {
  func.func @_sc_spmm(%arg0: i32, %arg1: i32, %arg2: memref<4x10000x64xf32, #tpu.memory_space<hbm>>, %arg3: memref<16x250x40xi32, #tpu.memory_space<hbm>>, %arg4: memref<16x250x40xi32, #tpu.memory_space<hbm>>, %arg5: memref<16x10000xf32, #tpu.memory_space<hbm>>, %arg6: memref<10000x4x64xf32, #tpu.memory_space<hbm>>, %arg7: memref<250x40xi32, #tpu.memory_space<vmem>>, %arg8: memref<250x40xi32, #tpu.memory_space<vmem>>, %arg9: memref<10000xf32, #tpu.memory_space<vmem>>, %arg10: memref<2x40x64xf32, #tpu.memory_space<vmem>>, %arg11: memref<125x64xf32, #tpu.memory_space<vmem>>, %arg12: memref<10000x64xf32, #tpu.memory_space<vmem_shared>>, %arg13: memref<!tpu.dma_semaphore, #tpu.memory_space<semaphore_mem>>, %arg14: memref<!tpu.dma_semaphore, #tpu.memory_space<semaphore_mem>>) attributes {dimension_semantics = [#tpu.dimension_semantics<core_parallel>, #tpu.dimension_semantics<subcore_parallel>], iteration_bounds = array<i64: 2, 16>, scalar_prefetch = 0 : i64, scratch_operands = 8 : i64, tpu.core_type = #tpu.core_type<sc_vector_subcore>, window_params = [{transform_indices = #map}, {transform_indices = #map}, {transform_indices = #map}, {transform_indices = #map1}, {transform_indices = #map}]} {
    "tpu.region"() ({
      %run_scoped3A = tpu.sem_alloc : memref<!tpu.dma_semaphore, #tpu.memory_space<semaphore_mem>>
      %dma_start3A_82 = arith.constant 0 : i32
      %dma_start3A_83 = arith.constant 0 : i32
      %dma_start3A_84 = tpu.memref_slice %arg3[%arg1, %dma_start3A_82, %dma_start3A_83] : memref<16x250x40xi32, #tpu.memory_space<hbm>> -> memref<1x250x40xi32, #tpu.memory_space<hbm>>
      %dma_start3A_85 = tpu.memref_squeeze %dma_start3A_84 : memref<1x250x40xi32, #tpu.memory_space<hbm>> -> memref<250x40xi32, #tpu.memory_space<hbm>>
      %dma_start3A_86 = arith.constant 0 : i32
      %dma_start3A_87 = arith.constant 0 : i32
      %dma_start3A_88 = tpu.memref_slice %arg3[%arg1, %dma_start3A_86, %dma_start3A_87] : memref<16x250x40xi32, #tpu.memory_space<hbm>> -> memref<1x250x40xi32, #tpu.memory_space<hbm>>
      %dma_start3A_89 = tpu.memref_squeeze %dma_start3A_88 : memref<1x250x40xi32, #tpu.memory_space<hbm>> -> memref<250x40xi32, #tpu.memory_space<hbm>>
      tpu.enqueue_dma source(%dma_start3A_89 : memref<250x40xi32, #tpu.memory_space<hbm>>) target(%arg7 : memref<250x40xi32, #tpu.memory_space<vmem>>) target_semaphore(%run_scoped3A : memref<!tpu.dma_semaphore, #tpu.memory_space<semaphore_mem>>)
      %dma_wait3A = arith.constant 0 : i32
      %dma_wait3A_90 = arith.constant 0 : i32
      %dma_wait3A_91 = tpu.memref_slice %arg3[%arg1, %dma_wait3A, %dma_wait3A_90] : memref<16x250x40xi32, #tpu.memory_space<hbm>> -> memref<1x250x40xi32, #tpu.memory_space<hbm>>
      %dma_wait3A_92 = tpu.memref_squeeze %dma_wait3A_91 : memref<1x250x40xi32, #tpu.memory_space<hbm>> -> memref<250x40xi32, #tpu.memory_space<hbm>>
      %dma_wait3A_93 = arith.constant 0 : i32
      %dma_wait3A_94 = arith.constant 0 : i32
      %dma_wait3A_95 = tpu.memref_slice %arg3[%arg1, %dma_wait3A_93, %dma_wait3A_94] : memref<16x250x40xi32, #tpu.memory_space<hbm>> -> memref<1x250x40xi32, #tpu.memory_space<hbm>>
      %dma_wait3A_96 = tpu.memref_squeeze %dma_wait3A_95 : memref<1x250x40xi32, #tpu.memory_space<hbm>> -> memref<250x40xi32, #tpu.memory_space<hbm>>
      tpu.wait_dma2 semaphore(%run_scoped3A : memref<!tpu.dma_semaphore, #tpu.memory_space<semaphore_mem>>) src(%dma_wait3A_96 : memref<250x40xi32, #tpu.memory_space<hbm>>) dst(%arg7 : memref<250x40xi32, #tpu.memory_space<vmem>>)
      tpu.yield
    }) : () -> ()
    "tpu.region"() ({
      %run_scoped3A = tpu.sem_alloc : memref<!tpu.dma_semaphore, #tpu.memory_space<semaphore_mem>>
      %dma_start3A_82 = arith.constant 0 : i32
      %dma_start3A_83 = arith.constant 0 : i32
      %dma_start3A_84 = tpu.memref_slice %arg4[%arg1, %dma_start3A_82, %dma_start3A_83] : memref<16x250x40xi32, #tpu.memory_space<hbm>> -> memref<1x250x40xi32, #tpu.memory_space<hbm>>
      %dma_start3A_85 = tpu.memref_squeeze %dma_start3A_84 : memref<1x250x40xi32, #tpu.memory_space<hbm>> -> memref<250x40xi32, #tpu.memory_space<hbm>>
      %dma_start3A_86 = arith.constant 0 : i32
      %dma_start3A_87 = arith.constant 0 : i32
      %dma_start3A_88 = tpu.memref_slice %arg4[%arg1, %dma_start3A_86, %dma_start3A_87] : memref<16x250x40xi32, #tpu.memory_space<hbm>> -> memref<1x250x40xi32, #tpu.memory_space<hbm>>
      %dma_start3A_89 = tpu.memref_squeeze %dma_start3A_88 : memref<1x250x40xi32, #tpu.memory_space<hbm>> -> memref<250x40xi32, #tpu.memory_space<hbm>>
      tpu.enqueue_dma source(%dma_start3A_89 : memref<250x40xi32, #tpu.memory_space<hbm>>) target(%arg8 : memref<250x40xi32, #tpu.memory_space<vmem>>) target_semaphore(%run_scoped3A : memref<!tpu.dma_semaphore, #tpu.memory_space<semaphore_mem>>)
      %dma_wait3A = arith.constant 0 : i32
      %dma_wait3A_90 = arith.constant 0 : i32
      %dma_wait3A_91 = tpu.memref_slice %arg4[%arg1, %dma_wait3A, %dma_wait3A_90] : memref<16x250x40xi32, #tpu.memory_space<hbm>> -> memref<1x250x40xi32, #tpu.memory_space<hbm>>
      %dma_wait3A_92 = tpu.memref_squeeze %dma_wait3A_91 : memref<1x250x40xi32, #tpu.memory_space<hbm>> -> memref<250x40xi32, #tpu.memory_space<hbm>>
      %dma_wait3A_93 = arith.constant 0 : i32
      %dma_wait3A_94 = arith.constant 0 : i32
      %dma_wait3A_95 = tpu.memref_slice %arg4[%arg1, %dma_wait3A_93, %dma_wait3A_94] : memref<16x250x40xi32, #tpu.memory_space<hbm>> -> memref<1x250x40xi32, #tpu.memory_space<hbm>>
      %dma_wait3A_96 = tpu.memref_squeeze %dma_wait3A_95 : memref<1x250x40xi32, #tpu.memory_space<hbm>> -> memref<250x40xi32, #tpu.memory_space<hbm>>
      tpu.wait_dma2 semaphore(%run_scoped3A : memref<!tpu.dma_semaphore, #tpu.memory_space<semaphore_mem>>) src(%dma_wait3A_96 : memref<250x40xi32, #tpu.memory_space<hbm>>) dst(%arg8 : memref<250x40xi32, #tpu.memory_space<vmem>>)
      tpu.yield
    }) : () -> ()
    "tpu.region"() ({
      %run_scoped3A = tpu.sem_alloc : memref<!tpu.dma_semaphore, #tpu.memory_space<semaphore_mem>>
      %dma_start3A_82 = arith.constant 0 : i32
      %dma_start3A_83 = tpu.memref_slice %arg5[%arg1, %dma_start3A_82] : memref<16x10000xf32, #tpu.memory_space<hbm>> -> memref<1x10000xf32, #tpu.memory_space<hbm>>
      %dma_start3A_84 = tpu.memref_squeeze %dma_start3A_83 : memref<1x10000xf32, #tpu.memory_space<hbm>> -> memref<10000xf32, #tpu.memory_space<hbm>>
      %dma_start3A_85 = arith.constant 0 : i32
      %dma_start3A_86 = tpu.memref_slice %arg5[%arg1, %dma_start3A_85] : memref<16x10000xf32, #tpu.memory_space<hbm>> -> memref<1x10000xf32, #tpu.memory_space<hbm>>
      %dma_start3A_87 = tpu.memref_squeeze %dma_start3A_86 : memref<1x10000xf32, #tpu.memory_space<hbm>> -> memref<10000xf32, #tpu.memory_space<hbm>>
      tpu.enqueue_dma source(%dma_start3A_87 : memref<10000xf32, #tpu.memory_space<hbm>>) target(%arg9 : memref<10000xf32, #tpu.memory_space<vmem>>) target_semaphore(%run_scoped3A : memref<!tpu.dma_semaphore, #tpu.memory_space<semaphore_mem>>)
      %dma_wait3A = arith.constant 0 : i32
      %dma_wait3A_88 = tpu.memref_slice %arg5[%arg1, %dma_wait3A] : memref<16x10000xf32, #tpu.memory_space<hbm>> -> memref<1x10000xf32, #tpu.memory_space<hbm>>
      %dma_wait3A_89 = tpu.memref_squeeze %dma_wait3A_88 : memref<1x10000xf32, #tpu.memory_space<hbm>> -> memref<10000xf32, #tpu.memory_space<hbm>>
      %dma_wait3A_90 = arith.constant 0 : i32
      %dma_wait3A_91 = tpu.memref_slice %arg5[%arg1, %dma_wait3A_90] : memref<16x10000xf32, #tpu.memory_space<hbm>> -> memref<1x10000xf32, #tpu.memory_space<hbm>>
      %dma_wait3A_92 = tpu.memref_squeeze %dma_wait3A_91 : memref<1x10000xf32, #tpu.memory_space<hbm>> -> memref<10000xf32, #tpu.memory_space<hbm>>
      tpu.wait_dma2 semaphore(%run_scoped3A : memref<!tpu.dma_semaphore, #tpu.memory_space<semaphore_mem>>) src(%dma_wait3A_92 : memref<10000xf32, #tpu.memory_space<hbm>>) dst(%arg9 : memref<10000xf32, #tpu.memory_space<vmem>>)
      tpu.yield
    }) : () -> ()
    %scan3A = arith.constant 0 : i32
    %scan3A_0 = arith.constant 0 : i32
    %scan3A_1 = arith.constant 125 : i32
    %scan3A_2 = arith.addi %scan3A_0, %scan3A_1 : i32
    %scan3A_3 = arith.constant 1 : i32
    %scan3A_4 = scf.for %scan3A_82 = %scan3A_0 to %scan3A_2 step %scan3A_3 iter_args(%scan3A_83 = %scan3A) -> (i32)  : i32 {
      %scan3A_84 = arith.constant 0 : i32
      %scan3A_85 = arith.constant 0 : i32
      %scan3A_86 = arith.constant 4 : i32
      %scan3A_87 = arith.addi %scan3A_85, %scan3A_86 : i32
      %scan3A_88 = arith.constant 1 : i32
      %scan3A_89 = scf.for %scan3A_91 = %scan3A_85 to %scan3A_87 step %scan3A_88 iter_args(%scan3A_92 = %scan3A_84) -> (i32)  : i32 {
        %broadcast_in_dim3A = arith.constant 0.000000e+00 : f32
        %broadcast_in_dim3A_93 = vector.broadcast %broadcast_in_dim3A : f32 to vector<16xf32>
        %mul3A_94 = arith.constant 16 : i32
        %mul3A_95 = arith.muli %scan3A_91, %mul3A_94 : i32
        %swap3A = arith.index_cast %scan3A_82 : i32 to index
        %swap3A_96 = arith.index_cast %mul3A_95 : i32 to index
        %swap3A_97 = tpu.vector_load %arg11[%swap3A, %swap3A_96] {strides = array<i32>} : memref<125x64xf32, #tpu.memory_space<vmem>>, vector<16xf32>,
        tpu.vector_store %arg11[%swap3A, %swap3A_96], %broadcast_in_dim3A_93 {strides = array<i32>} : memref<125x64xf32, #tpu.memory_space<vmem>>, vector<16xf32>,
        %scan3A_98 = arith.constant 0 : i32
        scf.yield %scan3A_98 : i32
      }
      %scan3A_90 = arith.constant 4 : i32
      scf.yield %scan3A_89 : i32
    }
    %scan3A_5 = arith.constant 125 : i32
    %mul3A = arith.constant 2 : i32
    %mul3A_6 = arith.muli %arg0, %mul3A : i32
    %add3A = arith.constant 0 : i32
    %add3A_7 = arith.addi %mul3A_6, %add3A : i32
    %scan3A_8 = arith.constant 0 : i32
    %scan3A_9 = arith.constant 0 : i32
    %scan3A_10 = arith.constant 5 : i32
    %scan3A_11 = arith.addi %scan3A_9, %scan3A_10 : i32
    %scan3A_12 = arith.constant 1 : i32
    %scan3A_13 = scf.for %scan3A_82 = %scan3A_9 to %scan3A_11 step %scan3A_12 iter_args(%scan3A_83 = %scan3A_8) -> (i32)  : i32 {
      %mul3A_84 = arith.constant 625 : i32
      %mul3A_85 = arith.muli %arg1, %mul3A_84 : i32
      %mul3A_86 = arith.constant 125 : i32
      %mul3A_87 = arith.muli %scan3A_82, %mul3A_86 : i32
      %add3A_88 = arith.addi %mul3A_85, %mul3A_87 : i32
      "tpu.region"() ({
        %run_scoped3A = tpu.sem_alloc : memref<!tpu.dma_semaphore, #tpu.memory_space<semaphore_mem>>
        %dma_start3A_90 = arith.constant 0 : i32
        %dma_start3A_91 = tpu.memref_slice %arg12[%add3A_88, %dma_start3A_90] : memref<10000x64xf32, #tpu.memory_space<vmem_shared>> -> memref<125x64xf32, #tpu.memory_space<vmem_shared>>
        %dma_start3A_92 = arith.constant 0 : i32
        %dma_start3A_93 = tpu.memref_slice %arg12[%add3A_88, %dma_start3A_92] : memref<10000x64xf32, #tpu.memory_space<vmem_shared>> -> memref<125x64xf32, #tpu.memory_space<vmem_shared>>
        tpu.enqueue_dma source(%arg11 : memref<125x64xf32, #tpu.memory_space<vmem>>) target(%dma_start3A_93 : memref<125x64xf32, #tpu.memory_space<vmem_shared>>) target_semaphore(%run_scoped3A : memref<!tpu.dma_semaphore, #tpu.memory_space<semaphore_mem>>)
        %dma_wait3A = arith.constant 0 : i32
        %dma_wait3A_94 = tpu.memref_slice %arg12[%add3A_88, %dma_wait3A] : memref<10000x64xf32, #tpu.memory_space<vmem_shared>> -> memref<125x64xf32, #tpu.memory_space<vmem_shared>>
        %dma_wait3A_95 = arith.constant 0 : i32
        %dma_wait3A_96 = tpu.memref_slice %arg12[%add3A_88, %dma_wait3A_95] : memref<10000x64xf32, #tpu.memory_space<vmem_shared>> -> memref<125x64xf32, #tpu.memory_space<vmem_shared>>
        tpu.wait_dma2 semaphore(%run_scoped3A : memref<!tpu.dma_semaphore, #tpu.memory_space<semaphore_mem>>) src(%arg11 : memref<125x64xf32, #tpu.memory_space<vmem>>) dst(%dma_wait3A_96 : memref<125x64xf32, #tpu.memory_space<vmem_shared>>)
        tpu.yield
      }) : () -> ()
      %scan3A_89 = arith.constant 0 : i32
      scf.yield %scan3A_89 : i32
    }
    %scan3A_14 = arith.constant 5 : i32
    %barrier3A = arith.constant 0 : index
    tpu.barrier barrier_id(%barrier3A)
    %dma_start3A = arith.constant 0 : i32
    %dma_start3A_15 = arith.constant 0 : i32
    %dma_start3A_16 = arith.constant 0 : i32
    %dma_start3A_17 = arith.constant 0 : i32
    %dma_start3A_18 = tpu.memref_slice %arg10[%dma_start3A_15, %dma_start3A_16, %dma_start3A_17] : memref<2x40x64xf32, #tpu.memory_space<vmem>> -> memref<1x40x64xf32, #tpu.memory_space<vmem>>
    %dma_start3A_19 = tpu.memref_squeeze %dma_start3A_18 : memref<1x40x64xf32, #tpu.memory_space<vmem>> -> memref<40x64xf32, #tpu.memory_space<vmem>>
    %dma_start3A_20 = arith.constant 0 : i32
    %dma_start3A_21 = tpu.memref_slice %arg7[%dma_start3A, %dma_start3A_20] : memref<250x40xi32, #tpu.memory_space<vmem>> -> memref<1x40xi32, #tpu.memory_space<vmem>>
    %dma_start3A_22 = tpu.memref_squeeze %dma_start3A_21 : memref<1x40xi32, #tpu.memory_space<vmem>> -> memref<40xi32, #tpu.memory_space<vmem>>
    %dma_start3A_23 = arith.constant 0 : i32
    %dma_start3A_24 = arith.constant 0 : i32
    %dma_start3A_25 = tpu.memref_slice %arg2[%add3A_7, %dma_start3A_23, %dma_start3A_24] : memref<4x10000x64xf32, #tpu.memory_space<hbm>> -> memref<1x10000x64xf32, #tpu.memory_space<hbm>>
    %dma_start3A_26 = tpu.memref_squeeze %dma_start3A_25 : memref<1x10000x64xf32, #tpu.memory_space<hbm>> -> memref<10000x64xf32, #tpu.memory_space<hbm>>
    %dma_start3A_27 = arith.constant 0 : i32
    %dma_start3A_28 = arith.constant 0 : i32
    %dma_start3A_29 = tpu.memref_slice %dma_start3A_26[%dma_start3A_27, %dma_start3A_28] : memref<10000x64xf32, #tpu.memory_space<hbm>> -> memref<10000x64xf32, #tpu.memory_space<hbm>>
    tpu.enqueue_indirect_dma source(%dma_start3A_29 : memref<10000x64xf32, #tpu.memory_space<hbm>>) target(%dma_start3A_19 : memref<40x64xf32, #tpu.memory_space<vmem>>) offsets(%dma_start3A_22 : memref<40xi32, #tpu.memory_space<vmem>>) semaphore(%arg13 : memref<!tpu.dma_semaphore, #tpu.memory_space<semaphore_mem>>)
    %scan3A_30 = arith.constant 0 : i32
    %scan3A_31 = arith.constant 0 : i32
    %scan3A_32 = arith.constant 125 : i32
    %scan3A_33 = arith.addi %scan3A_31, %scan3A_32 : i32
    %scan3A_34 = arith.constant 1 : i32
    %scan3A_35 = scf.for %scan3A_82 = %scan3A_31 to %scan3A_33 step %scan3A_34 iter_args(%scan3A_83 = %scan3A_30) -> (i32)  : i32 {
      %mul3A_84 = arith.constant 2 : i32
      %mul3A_85 = arith.muli %scan3A_82, %mul3A_84 : i32
      %add3A_86 = arith.constant 0 : i32
      %add3A_87 = arith.addi %mul3A_85, %add3A_86 : i32
      %dma_wait3A = arith.constant 0 : i32
      %dma_wait3A_88 = arith.constant 0 : i32
      %dma_wait3A_89 = arith.constant 0 : i32
      %dma_wait3A_90 = tpu.memref_slice %arg10[%dma_wait3A, %dma_wait3A_88, %dma_wait3A_89] : memref<2x40x64xf32, #tpu.memory_space<vmem>> -> memref<1x40x64xf32, #tpu.memory_space<vmem>>
      %dma_wait3A_91 = tpu.memref_squeeze %dma_wait3A_90 : memref<1x40x64xf32, #tpu.memory_space<vmem>> -> memref<40x64xf32, #tpu.memory_space<vmem>>
      %dma_wait3A_92 = arith.constant 0 : i32
      %dma_wait3A_93 = tpu.memref_slice %arg7[%add3A_87, %dma_wait3A_92] : memref<250x40xi32, #tpu.memory_space<vmem>> -> memref<1x40xi32, #tpu.memory_space<vmem>>
      %dma_wait3A_94 = tpu.memref_squeeze %dma_wait3A_93 : memref<1x40xi32, #tpu.memory_space<vmem>> -> memref<40xi32, #tpu.memory_space<vmem>>
      %dma_wait3A_95 = arith.constant 0 : i32
      %dma_wait3A_96 = arith.constant 0 : i32
      %dma_wait3A_97 = tpu.memref_slice %arg2[%add3A_7, %dma_wait3A_95, %dma_wait3A_96] : memref<4x10000x64xf32, #tpu.memory_space<hbm>> -> memref<1x10000x64xf32, #tpu.memory_space<hbm>>
      %dma_wait3A_98 = tpu.memref_squeeze %dma_wait3A_97 : memref<1x10000x64xf32, #tpu.memory_space<hbm>> -> memref<10000x64xf32, #tpu.memory_space<hbm>>
      %dma_wait3A_99 = arith.constant 0 : i32
      %dma_wait3A_100 = arith.constant 0 : i32
      %dma_wait3A_101 = tpu.memref_slice %dma_wait3A_98[%dma_wait3A_99, %dma_wait3A_100] : memref<10000x64xf32, #tpu.memory_space<hbm>> -> memref<10000x64xf32, #tpu.memory_space<hbm>>
      tpu.wait_indirect_dma semaphore(%arg13 : memref<!tpu.dma_semaphore, #tpu.memory_space<semaphore_mem>>) src(%dma_wait3A_101 : memref<10000x64xf32, #tpu.memory_space<hbm>>) dst(%dma_wait3A_91 : memref<40x64xf32, #tpu.memory_space<vmem>>)
      %add3A_102 = arith.constant 1 : i32
      %add3A_103 = arith.addi %add3A_87, %add3A_102 : i32
      %lt3A = arith.constant 250 : i32
      %lt3A_104 = arith.cmpi slt, %add3A_103, %lt3A : i32
      %convert_element_type3A = arith.extui %lt3A_104 : i1 to i32
      %cond3A = arith.constant 0 : i32
      %cond3A_105 = arith.cmpi ne, %convert_element_type3A, %cond3A : i32
      scf.if %cond3A_105 {
        %add3A_148 = arith.constant 1 : i32
        %add3A_149 = arith.addi %add3A_87, %add3A_148 : i32
        %dma_start3A_150 = arith.constant 1 : i32
        %dma_start3A_151 = arith.constant 0 : i32
        %dma_start3A_152 = arith.constant 0 : i32
        %dma_start3A_153 = tpu.memref_slice %arg10[%dma_start3A_150, %dma_start3A_151, %dma_start3A_152] : memref<2x40x64xf32, #tpu.memory_space<vmem>> -> memref<1x40x64xf32, #tpu.memory_space<vmem>>
        %dma_start3A_154 = tpu.memref_squeeze %dma_start3A_153 : memref<1x40x64xf32, #tpu.memory_space<vmem>> -> memref<40x64xf32, #tpu.memory_space<vmem>>
        %dma_start3A_155 = arith.constant 0 : i32
        %dma_start3A_156 = tpu.memref_slice %arg7[%add3A_149, %dma_start3A_155] : memref<250x40xi32, #tpu.memory_space<vmem>> -> memref<1x40xi32, #tpu.memory_space<vmem>>
        %dma_start3A_157 = tpu.memref_squeeze %dma_start3A_156 : memref<1x40xi32, #tpu.memory_space<vmem>> -> memref<40xi32, #tpu.memory_space<vmem>>
        %dma_start3A_158 = arith.constant 0 : i32
        %dma_start3A_159 = arith.constant 0 : i32
        %dma_start3A_160 = tpu.memref_slice %arg2[%add3A_7, %dma_start3A_158, %dma_start3A_159] : memref<4x10000x64xf32, #tpu.memory_space<hbm>> -> memref<1x10000x64xf32, #tpu.memory_space<hbm>>
        %dma_start3A_161 = tpu.memref_squeeze %dma_start3A_160 : memref<1x10000x64xf32, #tpu.memory_space<hbm>> -> memref<10000x64xf32, #tpu.memory_space<hbm>>
        %dma_start3A_162 = arith.constant 0 : i32
        %dma_start3A_163 = arith.constant 0 : i32
        %dma_start3A_164 = tpu.memref_slice %dma_start3A_161[%dma_start3A_162, %dma_start3A_163] : memref<10000x64xf32, #tpu.memory_space<hbm>> -> memref<10000x64xf32, #tpu.memory_space<hbm>>
        tpu.enqueue_indirect_dma source(%dma_start3A_164 : memref<10000x64xf32, #tpu.memory_space<hbm>>) target(%dma_start3A_154 : memref<40x64xf32, #tpu.memory_space<vmem>>) offsets(%dma_start3A_157 : memref<40xi32, #tpu.memory_space<vmem>>) semaphore(%arg14 : memref<!tpu.dma_semaphore, #tpu.memory_space<semaphore_mem>>)
      } else {
      }
      %scan3A_106 = arith.constant 0 : i32
      %scan3A_107 = arith.constant 0 : i32
      %scan3A_108 = arith.constant 40 : i32
      %scan3A_109 = arith.addi %scan3A_107, %scan3A_108 : i32
      %scan3A_110 = arith.constant 1 : i32
      %scan3A_111 = scf.for %scan3A_148 = %scan3A_107 to %scan3A_109 step %scan3A_110 iter_args(%scan3A_149 = %scan3A_106) -> (i32)  : i32 {
        %mul3A_150 = arith.constant 40 : i32
        %mul3A_151 = arith.muli %add3A_87, %mul3A_150 : i32
        %add3A_152 = arith.addi %mul3A_151, %scan3A_148 : i32
        %broadcast_in_dim3A = vector.broadcast %add3A_152 : i32 to vector<16xi32>
        %gather3A = tpu.vector_load_idx %arg9[%broadcast_in_dim3A] : memref<10000xf32, #tpu.memory_space<vmem>>[vector<16xi32>], vector<16xf32>,
        %get3A = arith.constant 0 : i32
        %get3A_153 = arith.index_cast %get3A : i32 to index
        %get3A_154 = arith.index_cast %scan3A_148 : i32 to index
        %get3A_155 = arith.constant 0 : index
        %get3A_156 = tpu.vector_load %arg10[%get3A_153, %get3A_154, %get3A_155] {strides = array<i32>} : memref<2x40x64xf32, #tpu.memory_space<vmem>>, vector<16xf32>,
        %mul3A_157 = arith.mulf %get3A_156, %gather3A : vector<16xf32>
        %swap3A = arith.constant 0 : i32
        %swap3A_158 = arith.index_cast %swap3A : i32 to index
        %swap3A_159 = arith.index_cast %scan3A_148 : i32 to index
        %swap3A_160 = arith.constant 0 : index
        %swap3A_161 = tpu.vector_load %arg10[%swap3A_158, %swap3A_159, %swap3A_160] {strides = array<i32>} : memref<2x40x64xf32, #tpu.memory_space<vmem>>, vector<16xf32>,
        tpu.vector_store %arg10[%swap3A_158, %swap3A_159, %swap3A_160], %mul3A_157 {strides = array<i32>} : memref<2x40x64xf32, #tpu.memory_space<vmem>>, vector<16xf32>,
        %get3A_162 = arith.constant 0 : i32
        %get3A_163 = arith.index_cast %get3A_162 : i32 to index
        %get3A_164 = arith.index_cast %scan3A_148 : i32 to index
        %get3A_165 = arith.constant 16 : index
        %get3A_166 = tpu.vector_load %arg10[%get3A_163, %get3A_164, %get3A_165] {strides = array<i32>} : memref<2x40x64xf32, #tpu.memory_space<vmem>>, vector<16xf32>,
        %mul3A_167 = arith.mulf %get3A_166, %gather3A : vector<16xf32>
        %swap3A_168 = arith.constant 0 : i32
        %swap3A_169 = arith.index_cast %swap3A_168 : i32 to index
        %swap3A_170 = arith.index_cast %scan3A_148 : i32 to index
        %swap3A_171 = arith.constant 16 : index
        %swap3A_172 = tpu.vector_load %arg10[%swap3A_169, %swap3A_170, %swap3A_171] {strides = array<i32>} : memref<2x40x64xf32, #tpu.memory_space<vmem>>, vector<16xf32>,
        tpu.vector_store %arg10[%swap3A_169, %swap3A_170, %swap3A_171], %mul3A_167 {strides = array<i32>} : memref<2x40x64xf32, #tpu.memory_space<vmem>>, vector<16xf32>,
        %get3A_173 = arith.constant 0 : i32
        %get3A_174 = arith.index_cast %get3A_173 : i32 to index
        %get3A_175 = arith.index_cast %scan3A_148 : i32 to index
        %get3A_176 = arith.constant 32 : index
        %get3A_177 = tpu.vector_load %arg10[%get3A_174, %get3A_175, %get3A_176] {strides = array<i32>} : memref<2x40x64xf32, #tpu.memory_space<vmem>>, vector<16xf32>,
        %mul3A_178 = arith.mulf %get3A_177, %gather3A : vector<16xf32>
        %swap3A_179 = arith.constant 0 : i32
        %swap3A_180 = arith.index_cast %swap3A_179 : i32 to index
        %swap3A_181 = arith.index_cast %scan3A_148 : i32 to index
        %swap3A_182 = arith.constant 32 : index
        %swap3A_183 = tpu.vector_load %arg10[%swap3A_180, %swap3A_181, %swap3A_182] {strides = array<i32>} : memref<2x40x64xf32, #tpu.memory_space<vmem>>, vector<16xf32>,
        tpu.vector_store %arg10[%swap3A_180, %swap3A_181, %swap3A_182], %mul3A_178 {strides = array<i32>} : memref<2x40x64xf32, #tpu.memory_space<vmem>>, vector<16xf32>,
        %get3A_184 = arith.constant 0 : i32
        %get3A_185 = arith.index_cast %get3A_184 : i32 to index
        %get3A_186 = arith.index_cast %scan3A_148 : i32 to index
        %get3A_187 = arith.constant 48 : index
        %get3A_188 = tpu.vector_load %arg10[%get3A_185, %get3A_186, %get3A_187] {strides = array<i32>} : memref<2x40x64xf32, #tpu.memory_space<vmem>>, vector<16xf32>,
        %mul3A_189 = arith.mulf %get3A_188, %gather3A : vector<16xf32>
        %swap3A_190 = arith.constant 0 : i32
        %swap3A_191 = arith.index_cast %swap3A_190 : i32 to index
        %swap3A_192 = arith.index_cast %scan3A_148 : i32 to index
        %swap3A_193 = arith.constant 48 : index
        %swap3A_194 = tpu.vector_load %arg10[%swap3A_191, %swap3A_192, %swap3A_193] {strides = array<i32>} : memref<2x40x64xf32, #tpu.memory_space<vmem>>, vector<16xf32>,
        tpu.vector_store %arg10[%swap3A_191, %swap3A_192, %swap3A_193], %mul3A_189 {strides = array<i32>} : memref<2x40x64xf32, #tpu.memory_space<vmem>>, vector<16xf32>,
        %scan3A_195 = arith.constant 0 : i32
        scf.yield %scan3A_195 : i32
      }
      %scan3A_112 = arith.constant 40 : i32
      %run_scoped3A = arith.constant 0 : i32
      "tpu.region"() ({
        %run_scoped3A_148 = tpu.sem_alloc : memref<!tpu.dma_semaphore, #tpu.memory_space<semaphore_mem>>
        %dma_start3A_149 = arith.constant 0 : i32
        %dma_start3A_150 = arith.constant 0 : i32
        %dma_start3A_151 = tpu.memref_slice %arg10[%run_scoped3A, %dma_start3A_149, %dma_start3A_150] : memref<2x40x64xf32, #tpu.memory_space<vmem>> -> memref<1x40x64xf32, #tpu.memory_space<vmem>>
        %dma_start3A_152 = tpu.memref_squeeze %dma_start3A_151 : memref<1x40x64xf32, #tpu.memory_space<vmem>> -> memref<40x64xf32, #tpu.memory_space<vmem>>
        %dma_start3A_153 = arith.constant 0 : i32
        %dma_start3A_154 = tpu.memref_slice %arg8[%add3A_87, %dma_start3A_153] : memref<250x40xi32, #tpu.memory_space<vmem>> -> memref<1x40xi32, #tpu.memory_space<vmem>>
        %dma_start3A_155 = tpu.memref_squeeze %dma_start3A_154 : memref<1x40xi32, #tpu.memory_space<vmem>> -> memref<40xi32, #tpu.memory_space<vmem>>
        %dma_start3A_156 = arith.constant 0 : i32
        %dma_start3A_157 = arith.constant 0 : i32
        %dma_start3A_158 = tpu.memref_slice %arg12[%dma_start3A_156, %dma_start3A_157] : memref<10000x64xf32, #tpu.memory_space<vmem_shared>> -> memref<10000x64xf32, #tpu.memory_space<vmem_shared>>
        tpu.enqueue_indirect_dma source(%dma_start3A_152 : memref<40x64xf32, #tpu.memory_space<vmem>>) target(%dma_start3A_158 : memref<10000x64xf32, #tpu.memory_space<vmem_shared>>) offsets(%dma_start3A_155 : memref<40xi32, #tpu.memory_space<vmem>>) semaphore(%run_scoped3A_148 : memref<!tpu.dma_semaphore, #tpu.memory_space<semaphore_mem>>) {add = true}
        %dma_wait3A_159 = arith.constant 0 : i32
        %dma_wait3A_160 = arith.constant 0 : i32
        %dma_wait3A_161 = tpu.memref_slice %arg10[%run_scoped3A, %dma_wait3A_159, %dma_wait3A_160] : memref<2x40x64xf32, #tpu.memory_space<vmem>> -> memref<1x40x64xf32, #tpu.memory_space<vmem>>
        %dma_wait3A_162 = tpu.memref_squeeze %dma_wait3A_161 : memref<1x40x64xf32, #tpu.memory_space<vmem>> -> memref<40x64xf32, #tpu.memory_space<vmem>>
        %dma_wait3A_163 = arith.constant 0 : i32
        %dma_wait3A_164 = tpu.memref_slice %arg8[%add3A_87, %dma_wait3A_163] : memref<250x40xi32, #tpu.memory_space<vmem>> -> memref<1x40xi32, #tpu.memory_space<vmem>>
        %dma_wait3A_165 = tpu.memref_squeeze %dma_wait3A_164 : memref<1x40xi32, #tpu.memory_space<vmem>> -> memref<40xi32, #tpu.memory_space<vmem>>
        %dma_wait3A_166 = arith.constant 0 : i32
        %dma_wait3A_167 = arith.constant 0 : i32
        %dma_wait3A_168 = tpu.memref_slice %arg12[%dma_wait3A_166, %dma_wait3A_167] : memref<10000x64xf32, #tpu.memory_space<vmem_shared>> -> memref<10000x64xf32, #tpu.memory_space<vmem_shared>>
        tpu.wait_indirect_dma semaphore(%run_scoped3A_148 : memref<!tpu.dma_semaphore, #tpu.memory_space<semaphore_mem>>) src(%dma_wait3A_162 : memref<40x64xf32, #tpu.memory_space<vmem>>) dst(%dma_wait3A_168 : memref<10000x64xf32, #tpu.memory_space<vmem_shared>>)
        tpu.yield
      }) : () -> ()
      %mul3A_113 = arith.constant 2 : i32
      %mul3A_114 = arith.muli %scan3A_82, %mul3A_113 : i32
      %add3A_115 = arith.constant 1 : i32
      %add3A_116 = arith.addi %mul3A_114, %add3A_115 : i32
      %dma_wait3A_117 = arith.constant 1 : i32
      %dma_wait3A_118 = arith.constant 0 : i32
      %dma_wait3A_119 = arith.constant 0 : i32
      %dma_wait3A_120 = tpu.memref_slice %arg10[%dma_wait3A_117, %dma_wait3A_118, %dma_wait3A_119] : memref<2x40x64xf32, #tpu.memory_space<vmem>> -> memref<1x40x64xf32, #tpu.memory_space<vmem>>
      %dma_wait3A_121 = tpu.memref_squeeze %dma_wait3A_120 : memref<1x40x64xf32, #tpu.memory_space<vmem>> -> memref<40x64xf32, #tpu.memory_space<vmem>>
      %dma_wait3A_122 = arith.constant 0 : i32
      %dma_wait3A_123 = tpu.memref_slice %arg7[%add3A_116, %dma_wait3A_122] : memref<250x40xi32, #tpu.memory_space<vmem>> -> memref<1x40xi32, #tpu.memory_space<vmem>>
      %dma_wait3A_124 = tpu.memref_squeeze %dma_wait3A_123 : memref<1x40xi32, #tpu.memory_space<vmem>> -> memref<40xi32, #tpu.memory_space<vmem>>
      %dma_wait3A_125 = arith.constant 0 : i32
      %dma_wait3A_126 = arith.constant 0 : i32
      %dma_wait3A_127 = tpu.memref_slice %arg2[%add3A_7, %dma_wait3A_125, %dma_wait3A_126] : memref<4x10000x64xf32, #tpu.memory_space<hbm>> -> memref<1x10000x64xf32, #tpu.memory_space<hbm>>
      %dma_wait3A_128 = tpu.memref_squeeze %dma_wait3A_127 : memref<1x10000x64xf32, #tpu.memory_space<hbm>> -> memref<10000x64xf32, #tpu.memory_space<hbm>>
      %dma_wait3A_129 = arith.constant 0 : i32
      %dma_wait3A_130 = arith.constant 0 : i32
      %dma_wait3A_131 = tpu.memref_slice %dma_wait3A_128[%dma_wait3A_129, %dma_wait3A_130] : memref<10000x64xf32, #tpu.memory_space<hbm>> -> memref<10000x64xf32, #tpu.memory_space<hbm>>
      tpu.wait_indirect_dma semaphore(%arg14 : memref<!tpu.dma_semaphore, #tpu.memory_space<semaphore_mem>>) src(%dma_wait3A_131 : memref<10000x64xf32, #tpu.memory_space<hbm>>) dst(%dma_wait3A_121 : memref<40x64xf32, #tpu.memory_space<vmem>>)
      %add3A_132 = arith.constant 1 : i32
      %add3A_133 = arith.addi %add3A_116, %add3A_132 : i32
      %lt3A_134 = arith.constant 250 : i32
      %lt3A_135 = arith.cmpi slt, %add3A_133, %lt3A_134 : i32
      %convert_element_type3A_136 = arith.extui %lt3A_135 : i1 to i32
      %cond3A_137 = arith.constant 0 : i32
      %cond3A_138 = arith.cmpi ne, %convert_element_type3A_136, %cond3A_137 : i32
      scf.if %cond3A_138 {
        %add3A_148 = arith.constant 1 : i32
        %add3A_149 = arith.addi %add3A_116, %add3A_148 : i32
        %dma_start3A_150 = arith.constant 0 : i32
        %dma_start3A_151 = arith.constant 0 : i32
        %dma_start3A_152 = arith.constant 0 : i32
        %dma_start3A_153 = tpu.memref_slice %arg10[%dma_start3A_150, %dma_start3A_151, %dma_start3A_152] : memref<2x40x64xf32, #tpu.memory_space<vmem>> -> memref<1x40x64xf32, #tpu.memory_space<vmem>>
        %dma_start3A_154 = tpu.memref_squeeze %dma_start3A_153 : memref<1x40x64xf32, #tpu.memory_space<vmem>> -> memref<40x64xf32, #tpu.memory_space<vmem>>
        %dma_start3A_155 = arith.constant 0 : i32
        %dma_start3A_156 = tpu.memref_slice %arg7[%add3A_149, %dma_start3A_155] : memref<250x40xi32, #tpu.memory_space<vmem>> -> memref<1x40xi32, #tpu.memory_space<vmem>>
        %dma_start3A_157 = tpu.memref_squeeze %dma_start3A_156 : memref<1x40xi32, #tpu.memory_space<vmem>> -> memref<40xi32, #tpu.memory_space<vmem>>
        %dma_start3A_158 = arith.constant 0 : i32
        %dma_start3A_159 = arith.constant 0 : i32
        %dma_start3A_160 = tpu.memref_slice %arg2[%add3A_7, %dma_start3A_158, %dma_start3A_159] : memref<4x10000x64xf32, #tpu.memory_space<hbm>> -> memref<1x10000x64xf32, #tpu.memory_space<hbm>>
        %dma_start3A_161 = tpu.memref_squeeze %dma_start3A_160 : memref<1x10000x64xf32, #tpu.memory_space<hbm>> -> memref<10000x64xf32, #tpu.memory_space<hbm>>
        %dma_start3A_162 = arith.constant 0 : i32
        %dma_start3A_163 = arith.constant 0 : i32
        %dma_start3A_164 = tpu.memref_slice %dma_start3A_161[%dma_start3A_162, %dma_start3A_163] : memref<10000x64xf32, #tpu.memory_space<hbm>> -> memref<10000x64xf32, #tpu.memory_space<hbm>>
        tpu.enqueue_indirect_dma source(%dma_start3A_164 : memref<10000x64xf32, #tpu.memory_space<hbm>>) target(%dma_start3A_154 : memref<40x64xf32, #tpu.memory_space<vmem>>) offsets(%dma_start3A_157 : memref<40xi32, #tpu.memory_space<vmem>>) semaphore(%arg13 : memref<!tpu.dma_semaphore, #tpu.memory_space<semaphore_mem>>)
      } else {
      }
      %scan3A_139 = arith.constant 0 : i32
      %scan3A_140 = arith.constant 0 : i32
      %scan3A_141 = arith.constant 40 : i32
      %scan3A_142 = arith.addi %scan3A_140, %scan3A_141 : i32
      %scan3A_143 = arith.constant 1 : i32
      %scan3A_144 = scf.for %scan3A_148 = %scan3A_140 to %scan3A_142 step %scan3A_143 iter_args(%scan3A_149 = %scan3A_139) -> (i32)  : i32 {
        %mul3A_150 = arith.constant 40 : i32
        %mul3A_151 = arith.muli %add3A_116, %mul3A_150 : i32
        %add3A_152 = arith.addi %mul3A_151, %scan3A_148 : i32
        %broadcast_in_dim3A = vector.broadcast %add3A_152 : i32 to vector<16xi32>
        %gather3A = tpu.vector_load_idx %arg9[%broadcast_in_dim3A] : memref<10000xf32, #tpu.memory_space<vmem>>[vector<16xi32>], vector<16xf32>,
        %get3A = arith.constant 1 : i32
        %get3A_153 = arith.index_cast %get3A : i32 to index
        %get3A_154 = arith.index_cast %scan3A_148 : i32 to index
        %get3A_155 = arith.constant 0 : index
        %get3A_156 = tpu.vector_load %arg10[%get3A_153, %get3A_154, %get3A_155] {strides = array<i32>} : memref<2x40x64xf32, #tpu.memory_space<vmem>>, vector<16xf32>,
        %mul3A_157 = arith.mulf %get3A_156, %gather3A : vector<16xf32>
        %swap3A = arith.constant 1 : i32
        %swap3A_158 = arith.index_cast %swap3A : i32 to index
        %swap3A_159 = arith.index_cast %scan3A_148 : i32 to index
        %swap3A_160 = arith.constant 0 : index
        %swap3A_161 = tpu.vector_load %arg10[%swap3A_158, %swap3A_159, %swap3A_160] {strides = array<i32>} : memref<2x40x64xf32, #tpu.memory_space<vmem>>, vector<16xf32>,
        tpu.vector_store %arg10[%swap3A_158, %swap3A_159, %swap3A_160], %mul3A_157 {strides = array<i32>} : memref<2x40x64xf32, #tpu.memory_space<vmem>>, vector<16xf32>,
        %get3A_162 = arith.constant 1 : i32
        %get3A_163 = arith.index_cast %get3A_162 : i32 to index
        %get3A_164 = arith.index_cast %scan3A_148 : i32 to index
        %get3A_165 = arith.constant 16 : index
        %get3A_166 = tpu.vector_load %arg10[%get3A_163, %get3A_164, %get3A_165] {strides = array<i32>} : memref<2x40x64xf32, #tpu.memory_space<vmem>>, vector<16xf32>,
        %mul3A_167 = arith.mulf %get3A_166, %gather3A : vector<16xf32>
        %swap3A_168 = arith.constant 1 : i32
        %swap3A_169 = arith.index_cast %swap3A_168 : i32 to index
        %swap3A_170 = arith.index_cast %scan3A_148 : i32 to index
        %swap3A_171 = arith.constant 16 : index
        %swap3A_172 = tpu.vector_load %arg10[%swap3A_169, %swap3A_170, %swap3A_171] {strides = array<i32>} : memref<2x40x64xf32, #tpu.memory_space<vmem>>, vector<16xf32>,
        tpu.vector_store %arg10[%swap3A_169, %swap3A_170, %swap3A_171], %mul3A_167 {strides = array<i32>} : memref<2x40x64xf32, #tpu.memory_space<vmem>>, vector<16xf32>,
        %get3A_173 = arith.constant 1 : i32
        %get3A_174 = arith.index_cast %get3A_173 : i32 to index
        %get3A_175 = arith.index_cast %scan3A_148 : i32 to index
        %get3A_176 = arith.constant 32 : index
        %get3A_177 = tpu.vector_load %arg10[%get3A_174, %get3A_175, %get3A_176] {strides = array<i32>} : memref<2x40x64xf32, #tpu.memory_space<vmem>>, vector<16xf32>,
        %mul3A_178 = arith.mulf %get3A_177, %gather3A : vector<16xf32>
        %swap3A_179 = arith.constant 1 : i32
        %swap3A_180 = arith.index_cast %swap3A_179 : i32 to index
        %swap3A_181 = arith.index_cast %scan3A_148 : i32 to index
        %swap3A_182 = arith.constant 32 : index
        %swap3A_183 = tpu.vector_load %arg10[%swap3A_180, %swap3A_181, %swap3A_182] {strides = array<i32>} : memref<2x40x64xf32, #tpu.memory_space<vmem>>, vector<16xf32>,
        tpu.vector_store %arg10[%swap3A_180, %swap3A_181, %swap3A_182], %mul3A_178 {strides = array<i32>} : memref<2x40x64xf32, #tpu.memory_space<vmem>>, vector<16xf32>,
        %get3A_184 = arith.constant 1 : i32
        %get3A_185 = arith.index_cast %get3A_184 : i32 to index
        %get3A_186 = arith.index_cast %scan3A_148 : i32 to index
        %get3A_187 = arith.constant 48 : index
        %get3A_188 = tpu.vector_load %arg10[%get3A_185, %get3A_186, %get3A_187] {strides = array<i32>} : memref<2x40x64xf32, #tpu.memory_space<vmem>>, vector<16xf32>,
        %mul3A_189 = arith.mulf %get3A_188, %gather3A : vector<16xf32>
        %swap3A_190 = arith.constant 1 : i32
        %swap3A_191 = arith.index_cast %swap3A_190 : i32 to index
        %swap3A_192 = arith.index_cast %scan3A_148 : i32 to index
        %swap3A_193 = arith.constant 48 : index
        %swap3A_194 = tpu.vector_load %arg10[%swap3A_191, %swap3A_192, %swap3A_193] {strides = array<i32>} : memref<2x40x64xf32, #tpu.memory_space<vmem>>, vector<16xf32>,
        tpu.vector_store %arg10[%swap3A_191, %swap3A_192, %swap3A_193], %mul3A_189 {strides = array<i32>} : memref<2x40x64xf32, #tpu.memory_space<vmem>>, vector<16xf32>,
        %scan3A_195 = arith.constant 0 : i32
        scf.yield %scan3A_195 : i32
      }
      %scan3A_145 = arith.constant 40 : i32
      %run_scoped3A_146 = arith.constant 1 : i32
      "tpu.region"() ({
        %run_scoped3A_148 = tpu.sem_alloc : memref<!tpu.dma_semaphore, #tpu.memory_space<semaphore_mem>>
        %dma_start3A_149 = arith.constant 0 : i32
        %dma_start3A_150 = arith.constant 0 : i32
        %dma_start3A_151 = tpu.memref_slice %arg10[%run_scoped3A_146, %dma_start3A_149, %dma_start3A_150] : memref<2x40x64xf32, #tpu.memory_space<vmem>> -> memref<1x40x64xf32, #tpu.memory_space<vmem>>
        %dma_start3A_152 = tpu.memref_squeeze %dma_start3A_151 : memref<1x40x64xf32, #tpu.memory_space<vmem>> -> memref<40x64xf32, #tpu.memory_space<vmem>>
        %dma_start3A_153 = arith.constant 0 : i32
        %dma_start3A_154 = tpu.memref_slice %arg8[%add3A_116, %dma_start3A_153] : memref<250x40xi32, #tpu.memory_space<vmem>> -> memref<1x40xi32, #tpu.memory_space<vmem>>
        %dma_start3A_155 = tpu.memref_squeeze %dma_start3A_154 : memref<1x40xi32, #tpu.memory_space<vmem>> -> memref<40xi32, #tpu.memory_space<vmem>>
        %dma_start3A_156 = arith.constant 0 : i32
        %dma_start3A_157 = arith.constant 0 : i32
        %dma_start3A_158 = tpu.memref_slice %arg12[%dma_start3A_156, %dma_start3A_157] : memref<10000x64xf32, #tpu.memory_space<vmem_shared>> -> memref<10000x64xf32, #tpu.memory_space<vmem_shared>>
        tpu.enqueue_indirect_dma source(%dma_start3A_152 : memref<40x64xf32, #tpu.memory_space<vmem>>) target(%dma_start3A_158 : memref<10000x64xf32, #tpu.memory_space<vmem_shared>>) offsets(%dma_start3A_155 : memref<40xi32, #tpu.memory_space<vmem>>) semaphore(%run_scoped3A_148 : memref<!tpu.dma_semaphore, #tpu.memory_space<semaphore_mem>>) {add = true}
        %dma_wait3A_159 = arith.constant 0 : i32
        %dma_wait3A_160 = arith.constant 0 : i32
        %dma_wait3A_161 = tpu.memref_slice %arg10[%run_scoped3A_146, %dma_wait3A_159, %dma_wait3A_160] : memref<2x40x64xf32, #tpu.memory_space<vmem>> -> memref<1x40x64xf32, #tpu.memory_space<vmem>>
        %dma_wait3A_162 = tpu.memref_squeeze %dma_wait3A_161 : memref<1x40x64xf32, #tpu.memory_space<vmem>> -> memref<40x64xf32, #tpu.memory_space<vmem>>
        %dma_wait3A_163 = arith.constant 0 : i32
        %dma_wait3A_164 = tpu.memref_slice %arg8[%add3A_116, %dma_wait3A_163] : memref<250x40xi32, #tpu.memory_space<vmem>> -> memref<1x40xi32, #tpu.memory_space<vmem>>
        %dma_wait3A_165 = tpu.memref_squeeze %dma_wait3A_164 : memref<1x40xi32, #tpu.memory_space<vmem>> -> memref<40xi32, #tpu.memory_space<vmem>>
        %dma_wait3A_166 = arith.constant 0 : i32
        %dma_wait3A_167 = arith.constant 0 : i32
        %dma_wait3A_168 = tpu.memref_slice %arg12[%dma_wait3A_166, %dma_wait3A_167] : memref<10000x64xf32, #tpu.memory_space<vmem_shared>> -> memref<10000x64xf32, #tpu.memory_space<vmem_shared>>
        tpu.wait_indirect_dma semaphore(%run_scoped3A_148 : memref<!tpu.dma_semaphore, #tpu.memory_space<semaphore_mem>>) src(%dma_wait3A_162 : memref<40x64xf32, #tpu.memory_space<vmem>>) dst(%dma_wait3A_168 : memref<10000x64xf32, #tpu.memory_space<vmem_shared>>)
        tpu.yield
      }) : () -> ()
      %scan3A_147 = arith.constant 0 : i32
      scf.yield %scan3A_147 : i32
    }
    %scan3A_36 = arith.constant 125 : i32
    %barrier3A_37 = arith.constant 0 : index
    tpu.barrier barrier_id(%barrier3A_37)
    %mul3A_38 = arith.constant 625 : i32
    %mul3A_39 = arith.muli %arg1, %mul3A_38 : i32
    %mul3A_40 = arith.constant 625 : i32
    %mul3A_41 = arith.muli %arg1, %mul3A_40 : i32
    "tpu.region"() ({
      %run_scoped3A = tpu.sem_alloc : memref<!tpu.dma_semaphore, #tpu.memory_space<semaphore_mem>>
      %dma_start3A_82 = arith.constant 0 : i32
      %dma_start3A_83 = tpu.memref_slice %arg6[%mul3A_41, %add3A_7, %dma_start3A_82] : memref<10000x4x64xf32, #tpu.memory_space<hbm>> -> memref<625x1x64xf32, #tpu.memory_space<hbm>>
      %dma_start3A_84 = tpu.memref_squeeze %dma_start3A_83 : memref<625x1x64xf32, #tpu.memory_space<hbm>> -> memref<625x64xf32, #tpu.memory_space<hbm>>
      %dma_start3A_85 = arith.constant 0 : i32
      %dma_start3A_86 = tpu.memref_slice %arg12[%mul3A_39, %dma_start3A_85] : memref<10000x64xf32, #tpu.memory_space<vmem_shared>> -> memref<625x64xf32, #tpu.memory_space<vmem_shared>>
      tpu.enqueue_dma source(%dma_start3A_86 : memref<625x64xf32, #tpu.memory_space<vmem_shared>>) target(%dma_start3A_84 : memref<625x64xf32, #tpu.memory_space<hbm>>) target_semaphore(%run_scoped3A : memref<!tpu.dma_semaphore, #tpu.memory_space<semaphore_mem>>)
      %dma_wait3A = arith.constant 0 : i32
      %dma_wait3A_87 = tpu.memref_slice %arg6[%mul3A_41, %add3A_7, %dma_wait3A] : memref<10000x4x64xf32, #tpu.memory_space<hbm>> -> memref<625x1x64xf32, #tpu.memory_space<hbm>>
      %dma_wait3A_88 = tpu.memref_squeeze %dma_wait3A_87 : memref<625x1x64xf32, #tpu.memory_space<hbm>> -> memref<625x64xf32, #tpu.memory_space<hbm>>
      %dma_wait3A_89 = arith.constant 0 : i32
      %dma_wait3A_90 = tpu.memref_slice %arg12[%mul3A_39, %dma_wait3A_89] : memref<10000x64xf32, #tpu.memory_space<vmem_shared>> -> memref<625x64xf32, #tpu.memory_space<vmem_shared>>
      tpu.wait_dma2 semaphore(%run_scoped3A : memref<!tpu.dma_semaphore, #tpu.memory_space<semaphore_mem>>) src(%dma_wait3A_90 : memref<625x64xf32, #tpu.memory_space<vmem_shared>>) dst(%dma_wait3A_88 : memref<625x64xf32, #tpu.memory_space<hbm>>)
      tpu.yield
    }) : () -> ()
    %mul3A_42 = arith.constant 2 : i32
    %mul3A_43 = arith.muli %arg0, %mul3A_42 : i32
    %add3A_44 = arith.constant 1 : i32
    %add3A_45 = arith.addi %mul3A_43, %add3A_44 : i32
    %scan3A_46 = arith.constant 0 : i32
    %scan3A_47 = arith.constant 0 : i32
    %scan3A_48 = arith.constant 5 : i32
    %scan3A_49 = arith.addi %scan3A_47, %scan3A_48 : i32
    %scan3A_50 = arith.constant 1 : i32
    %scan3A_51 = scf.for %scan3A_82 = %scan3A_47 to %scan3A_49 step %scan3A_50 iter_args(%scan3A_83 = %scan3A_46) -> (i32)  : i32 {
      %mul3A_84 = arith.constant 625 : i32
      %mul3A_85 = arith.muli %arg1, %mul3A_84 : i32
      %mul3A_86 = arith.constant 125 : i32
      %mul3A_87 = arith.muli %scan3A_82, %mul3A_86 : i32
      %add3A_88 = arith.addi %mul3A_85, %mul3A_87 : i32
      "tpu.region"() ({
        %run_scoped3A = tpu.sem_alloc : memref<!tpu.dma_semaphore, #tpu.memory_space<semaphore_mem>>
        %dma_start3A_90 = arith.constant 0 : i32
        %dma_start3A_91 = tpu.memref_slice %arg12[%add3A_88, %dma_start3A_90] : memref<10000x64xf32, #tpu.memory_space<vmem_shared>> -> memref<125x64xf32, #tpu.memory_space<vmem_shared>>
        %dma_start3A_92 = arith.constant 0 : i32
        %dma_start3A_93 = tpu.memref_slice %arg12[%add3A_88, %dma_start3A_92] : memref<10000x64xf32, #tpu.memory_space<vmem_shared>> -> memref<125x64xf32, #tpu.memory_space<vmem_shared>>
        tpu.enqueue_dma source(%arg11 : memref<125x64xf32, #tpu.memory_space<vmem>>) target(%dma_start3A_93 : memref<125x64xf32, #tpu.memory_space<vmem_shared>>) target_semaphore(%run_scoped3A : memref<!tpu.dma_semaphore, #tpu.memory_space<semaphore_mem>>)
        %dma_wait3A = arith.constant 0 : i32
        %dma_wait3A_94 = tpu.memref_slice %arg12[%add3A_88, %dma_wait3A] : memref<10000x64xf32, #tpu.memory_space<vmem_shared>> -> memref<125x64xf32, #tpu.memory_space<vmem_shared>>
        %dma_wait3A_95 = arith.constant 0 : i32
        %dma_wait3A_96 = tpu.memref_slice %arg12[%add3A_88, %dma_wait3A_95] : memref<10000x64xf32, #tpu.memory_space<vmem_shared>> -> memref<125x64xf32, #tpu.memory_space<vmem_shared>>
        tpu.wait_dma2 semaphore(%run_scoped3A : memref<!tpu.dma_semaphore, #tpu.memory_space<semaphore_mem>>) src(%arg11 : memref<125x64xf32, #tpu.memory_space<vmem>>) dst(%dma_wait3A_96 : memref<125x64xf32, #tpu.memory_space<vmem_shared>>)
        tpu.yield
      }) : () -> ()
      %scan3A_89 = arith.constant 0 : i32
      scf.yield %scan3A_89 : i32
    }
    %scan3A_52 = arith.constant 5 : i32
    %barrier3A_53 = arith.constant 0 : index
    tpu.barrier barrier_id(%barrier3A_53)
    %dma_start3A_54 = arith.constant 0 : i32
    %dma_start3A_55 = arith.constant 0 : i32
    %dma_start3A_56 = arith.constant 0 : i32
    %dma_start3A_57 = arith.constant 0 : i32
    %dma_start3A_58 = tpu.memref_slice %arg10[%dma_start3A_55, %dma_start3A_56, %dma_start3A_57] : memref<2x40x64xf32, #tpu.memory_space<vmem>> -> memref<1x40x64xf32, #tpu.memory_space<vmem>>
    %dma_start3A_59 = tpu.memref_squeeze %dma_start3A_58 : memref<1x40x64xf32, #tpu.memory_space<vmem>> -> memref<40x64xf32, #tpu.memory_space<vmem>>
    %dma_start3A_60 = arith.constant 0 : i32
    %dma_start3A_61 = tpu.memref_slice %arg7[%dma_start3A_54, %dma_start3A_60] : memref<250x40xi32, #tpu.memory_space<vmem>> -> memref<1x40xi32, #tpu.memory_space<vmem>>
    %dma_start3A_62 = tpu.memref_squeeze %dma_start3A_61 : memref<1x40xi32, #tpu.memory_space<vmem>> -> memref<40xi32, #tpu.memory_space<vmem>>
    %dma_start3A_63 = arith.constant 0 : i32
    %dma_start3A_64 = arith.constant 0 : i32
    %dma_start3A_65 = tpu.memref_slice %arg2[%add3A_45, %dma_start3A_63, %dma_start3A_64] : memref<4x10000x64xf32, #tpu.memory_space<hbm>> -> memref<1x10000x64xf32, #tpu.memory_space<hbm>>
    %dma_start3A_66 = tpu.memref_squeeze %dma_start3A_65 : memref<1x10000x64xf32, #tpu.memory_space<hbm>> -> memref<10000x64xf32, #tpu.memory_space<hbm>>
    %dma_start3A_67 = arith.constant 0 : i32
    %dma_start3A_68 = arith.constant 0 : i32
    %dma_start3A_69 = tpu.memref_slice %dma_start3A_66[%dma_start3A_67, %dma_start3A_68] : memref<10000x64xf32, #tpu.memory_space<hbm>> -> memref<10000x64xf32, #tpu.memory_space<hbm>>
    tpu.enqueue_indirect_dma source(%dma_start3A_69 : memref<10000x64xf32, #tpu.memory_space<hbm>>) target(%dma_start3A_59 : memref<40x64xf32, #tpu.memory_space<vmem>>) offsets(%dma_start3A_62 : memref<40xi32, #tpu.memory_space<vmem>>) semaphore(%arg13 : memref<!tpu.dma_semaphore, #tpu.memory_space<semaphore_mem>>)
    %scan3A_70 = arith.constant 0 : i32
    %scan3A_71 = arith.constant 0 : i32
    %scan3A_72 = arith.constant 125 : i32
    %scan3A_73 = arith.addi %scan3A_71, %scan3A_72 : i32
    %scan3A_74 = arith.constant 1 : i32
    %scan3A_75 = scf.for %scan3A_82 = %scan3A_71 to %scan3A_73 step %scan3A_74 iter_args(%scan3A_83 = %scan3A_70) -> (i32)  : i32 {
      %mul3A_84 = arith.constant 2 : i32
      %mul3A_85 = arith.muli %scan3A_82, %mul3A_84 : i32
      %add3A_86 = arith.constant 0 : i32
      %add3A_87 = arith.addi %mul3A_85, %add3A_86 : i32
      %dma_wait3A = arith.constant 0 : i32
      %dma_wait3A_88 = arith.constant 0 : i32
      %dma_wait3A_89 = arith.constant 0 : i32
      %dma_wait3A_90 = tpu.memref_slice %arg10[%dma_wait3A, %dma_wait3A_88, %dma_wait3A_89] : memref<2x40x64xf32, #tpu.memory_space<vmem>> -> memref<1x40x64xf32, #tpu.memory_space<vmem>>
      %dma_wait3A_91 = tpu.memref_squeeze %dma_wait3A_90 : memref<1x40x64xf32, #tpu.memory_space<vmem>> -> memref<40x64xf32, #tpu.memory_space<vmem>>
      %dma_wait3A_92 = arith.constant 0 : i32
      %dma_wait3A_93 = tpu.memref_slice %arg7[%add3A_87, %dma_wait3A_92] : memref<250x40xi32, #tpu.memory_space<vmem>> -> memref<1x40xi32, #tpu.memory_space<vmem>>
      %dma_wait3A_94 = tpu.memref_squeeze %dma_wait3A_93 : memref<1x40xi32, #tpu.memory_space<vmem>> -> memref<40xi32, #tpu.memory_space<vmem>>
      %dma_wait3A_95 = arith.constant 0 : i32
      %dma_wait3A_96 = arith.constant 0 : i32
      %dma_wait3A_97 = tpu.memref_slice %arg2[%add3A_45, %dma_wait3A_95, %dma_wait3A_96] : memref<4x10000x64xf32, #tpu.memory_space<hbm>> -> memref<1x10000x64xf32, #tpu.memory_space<hbm>>
      %dma_wait3A_98 = tpu.memref_squeeze %dma_wait3A_97 : memref<1x10000x64xf32, #tpu.memory_space<hbm>> -> memref<10000x64xf32, #tpu.memory_space<hbm>>
      %dma_wait3A_99 = arith.constant 0 : i32
      %dma_wait3A_100 = arith.constant 0 : i32
      %dma_wait3A_101 = tpu.memref_slice %dma_wait3A_98[%dma_wait3A_99, %dma_wait3A_100] : memref<10000x64xf32, #tpu.memory_space<hbm>> -> memref<10000x64xf32, #tpu.memory_space<hbm>>
      tpu.wait_indirect_dma semaphore(%arg13 : memref<!tpu.dma_semaphore, #tpu.memory_space<semaphore_mem>>) src(%dma_wait3A_101 : memref<10000x64xf32, #tpu.memory_space<hbm>>) dst(%dma_wait3A_91 : memref<40x64xf32, #tpu.memory_space<vmem>>)
      %add3A_102 = arith.constant 1 : i32
      %add3A_103 = arith.addi %add3A_87, %add3A_102 : i32
      %lt3A = arith.constant 250 : i32
      %lt3A_104 = arith.cmpi slt, %add3A_103, %lt3A : i32
      %convert_element_type3A = arith.extui %lt3A_104 : i1 to i32
      %cond3A = arith.constant 0 : i32
      %cond3A_105 = arith.cmpi ne, %convert_element_type3A, %cond3A : i32
      scf.if %cond3A_105 {
        %add3A_148 = arith.constant 1 : i32
        %add3A_149 = arith.addi %add3A_87, %add3A_148 : i32
        %dma_start3A_150 = arith.constant 1 : i32
        %dma_start3A_151 = arith.constant 0 : i32
        %dma_start3A_152 = arith.constant 0 : i32
        %dma_start3A_153 = tpu.memref_slice %arg10[%dma_start3A_150, %dma_start3A_151, %dma_start3A_152] : memref<2x40x64xf32, #tpu.memory_space<vmem>> -> memref<1x40x64xf32, #tpu.memory_space<vmem>>
        %dma_start3A_154 = tpu.memref_squeeze %dma_start3A_153 : memref<1x40x64xf32, #tpu.memory_space<vmem>> -> memref<40x64xf32, #tpu.memory_space<vmem>>
        %dma_start3A_155 = arith.constant 0 : i32
        %dma_start3A_156 = tpu.memref_slice %arg7[%add3A_149, %dma_start3A_155] : memref<250x40xi32, #tpu.memory_space<vmem>> -> memref<1x40xi32, #tpu.memory_space<vmem>>
        %dma_start3A_157 = tpu.memref_squeeze %dma_start3A_156 : memref<1x40xi32, #tpu.memory_space<vmem>> -> memref<40xi32, #tpu.memory_space<vmem>>
        %dma_start3A_158 = arith.constant 0 : i32
        %dma_start3A_159 = arith.constant 0 : i32
        %dma_start3A_160 = tpu.memref_slice %arg2[%add3A_45, %dma_start3A_158, %dma_start3A_159] : memref<4x10000x64xf32, #tpu.memory_space<hbm>> -> memref<1x10000x64xf32, #tpu.memory_space<hbm>>
        %dma_start3A_161 = tpu.memref_squeeze %dma_start3A_160 : memref<1x10000x64xf32, #tpu.memory_space<hbm>> -> memref<10000x64xf32, #tpu.memory_space<hbm>>
        %dma_start3A_162 = arith.constant 0 : i32
        %dma_start3A_163 = arith.constant 0 : i32
        %dma_start3A_164 = tpu.memref_slice %dma_start3A_161[%dma_start3A_162, %dma_start3A_163] : memref<10000x64xf32, #tpu.memory_space<hbm>> -> memref<10000x64xf32, #tpu.memory_space<hbm>>
        tpu.enqueue_indirect_dma source(%dma_start3A_164 : memref<10000x64xf32, #tpu.memory_space<hbm>>) target(%dma_start3A_154 : memref<40x64xf32, #tpu.memory_space<vmem>>) offsets(%dma_start3A_157 : memref<40xi32, #tpu.memory_space<vmem>>) semaphore(%arg14 : memref<!tpu.dma_semaphore, #tpu.memory_space<semaphore_mem>>)
      } else {
      }
      %scan3A_106 = arith.constant 0 : i32
      %scan3A_107 = arith.constant 0 : i32
      %scan3A_108 = arith.constant 40 : i32
      %scan3A_109 = arith.addi %scan3A_107, %scan3A_108 : i32
      %scan3A_110 = arith.constant 1 : i32
      %scan3A_111 = scf.for %scan3A_148 = %scan3A_107 to %scan3A_109 step %scan3A_110 iter_args(%scan3A_149 = %scan3A_106) -> (i32)  : i32 {
        %mul3A_150 = arith.constant 40 : i32
        %mul3A_151 = arith.muli %add3A_87, %mul3A_150 : i32
        %add3A_152 = arith.addi %mul3A_151, %scan3A_148 : i32
        %broadcast_in_dim3A = vector.broadcast %add3A_152 : i32 to vector<16xi32>
        %gather3A = tpu.vector_load_idx %arg9[%broadcast_in_dim3A] : memref<10000xf32, #tpu.memory_space<vmem>>[vector<16xi32>], vector<16xf32>,
        %get3A = arith.constant 0 : i32
        %get3A_153 = arith.index_cast %get3A : i32 to index
        %get3A_154 = arith.index_cast %scan3A_148 : i32 to index
        %get3A_155 = arith.constant 0 : index
        %get3A_156 = tpu.vector_load %arg10[%get3A_153, %get3A_154, %get3A_155] {strides = array<i32>} : memref<2x40x64xf32, #tpu.memory_space<vmem>>, vector<16xf32>,
        %mul3A_157 = arith.mulf %get3A_156, %gather3A : vector<16xf32>
        %swap3A = arith.constant 0 : i32
        %swap3A_158 = arith.index_cast %swap3A : i32 to index
        %swap3A_159 = arith.index_cast %scan3A_148 : i32 to index
        %swap3A_160 = arith.constant 0 : index
        %swap3A_161 = tpu.vector_load %arg10[%swap3A_158, %swap3A_159, %swap3A_160] {strides = array<i32>} : memref<2x40x64xf32, #tpu.memory_space<vmem>>, vector<16xf32>,
        tpu.vector_store %arg10[%swap3A_158, %swap3A_159, %swap3A_160], %mul3A_157 {strides = array<i32>} : memref<2x40x64xf32, #tpu.memory_space<vmem>>, vector<16xf32>,
        %get3A_162 = arith.constant 0 : i32
        %get3A_163 = arith.index_cast %get3A_162 : i32 to index
        %get3A_164 = arith.index_cast %scan3A_148 : i32 to index
        %get3A_165 = arith.constant 16 : index
        %get3A_166 = tpu.vector_load %arg10[%get3A_163, %get3A_164, %get3A_165] {strides = array<i32>} : memref<2x40x64xf32, #tpu.memory_space<vmem>>, vector<16xf32>,
        %mul3A_167 = arith.mulf %get3A_166, %gather3A : vector<16xf32>
        %swap3A_168 = arith.constant 0 : i32
        %swap3A_169 = arith.index_cast %swap3A_168 : i32 to index
        %swap3A_170 = arith.index_cast %scan3A_148 : i32 to index
        %swap3A_171 = arith.constant 16 : index
        %swap3A_172 = tpu.vector_load %arg10[%swap3A_169, %swap3A_170, %swap3A_171] {strides = array<i32>} : memref<2x40x64xf32, #tpu.memory_space<vmem>>, vector<16xf32>,
        tpu.vector_store %arg10[%swap3A_169, %swap3A_170, %swap3A_171], %mul3A_167 {strides = array<i32>} : memref<2x40x64xf32, #tpu.memory_space<vmem>>, vector<16xf32>,
        %get3A_173 = arith.constant 0 : i32
        %get3A_174 = arith.index_cast %get3A_173 : i32 to index
        %get3A_175 = arith.index_cast %scan3A_148 : i32 to index
        %get3A_176 = arith.constant 32 : index
        %get3A_177 = tpu.vector_load %arg10[%get3A_174, %get3A_175, %get3A_176] {strides = array<i32>} : memref<2x40x64xf32, #tpu.memory_space<vmem>>, vector<16xf32>,
        %mul3A_178 = arith.mulf %get3A_177, %gather3A : vector<16xf32>
        %swap3A_179 = arith.constant 0 : i32
        %swap3A_180 = arith.index_cast %swap3A_179 : i32 to index
        %swap3A_181 = arith.index_cast %scan3A_148 : i32 to index
        %swap3A_182 = arith.constant 32 : index
        %swap3A_183 = tpu.vector_load %arg10[%swap3A_180, %swap3A_181, %swap3A_182] {strides = array<i32>} : memref<2x40x64xf32, #tpu.memory_space<vmem>>, vector<16xf32>,
        tpu.vector_store %arg10[%swap3A_180, %swap3A_181, %swap3A_182], %mul3A_178 {strides = array<i32>} : memref<2x40x64xf32, #tpu.memory_space<vmem>>, vector<16xf32>,
        %get3A_184 = arith.constant 0 : i32
        %get3A_185 = arith.index_cast %get3A_184 : i32 to index
        %get3A_186 = arith.index_cast %scan3A_148 : i32 to index
        %get3A_187 = arith.constant 48 : index
        %get3A_188 = tpu.vector_load %arg10[%get3A_185, %get3A_186, %get3A_187] {strides = array<i32>} : memref<2x40x64xf32, #tpu.memory_space<vmem>>, vector<16xf32>,
        %mul3A_189 = arith.mulf %get3A_188, %gather3A : vector<16xf32>
        %swap3A_190 = arith.constant 0 : i32
        %swap3A_191 = arith.index_cast %swap3A_190 : i32 to index
        %swap3A_192 = arith.index_cast %scan3A_148 : i32 to index
        %swap3A_193 = arith.constant 48 : index
        %swap3A_194 = tpu.vector_load %arg10[%swap3A_191, %swap3A_192, %swap3A_193] {strides = array<i32>} : memref<2x40x64xf32, #tpu.memory_space<vmem>>, vector<16xf32>,
        tpu.vector_store %arg10[%swap3A_191, %swap3A_192, %swap3A_193], %mul3A_189 {strides = array<i32>} : memref<2x40x64xf32, #tpu.memory_space<vmem>>, vector<16xf32>,
        %scan3A_195 = arith.constant 0 : i32
        scf.yield %scan3A_195 : i32
      }
      %scan3A_112 = arith.constant 40 : i32
      %run_scoped3A = arith.constant 0 : i32
      "tpu.region"() ({
        %run_scoped3A_148 = tpu.sem_alloc : memref<!tpu.dma_semaphore, #tpu.memory_space<semaphore_mem>>
        %dma_start3A_149 = arith.constant 0 : i32
        %dma_start3A_150 = arith.constant 0 : i32
        %dma_start3A_151 = tpu.memref_slice %arg10[%run_scoped3A, %dma_start3A_149, %dma_start3A_150] : memref<2x40x64xf32, #tpu.memory_space<vmem>> -> memref<1x40x64xf32, #tpu.memory_space<vmem>>
        %dma_start3A_152 = tpu.memref_squeeze %dma_start3A_151 : memref<1x40x64xf32, #tpu.memory_space<vmem>> -> memref<40x64xf32, #tpu.memory_space<vmem>>
        %dma_start3A_153 = arith.constant 0 : i32
        %dma_start3A_154 = tpu.memref_slice %arg8[%add3A_87, %dma_start3A_153] : memref<250x40xi32, #tpu.memory_space<vmem>> -> memref<1x40xi32, #tpu.memory_space<vmem>>
        %dma_start3A_155 = tpu.memref_squeeze %dma_start3A_154 : memref<1x40xi32, #tpu.memory_space<vmem>> -> memref<40xi32, #tpu.memory_space<vmem>>
        %dma_start3A_156 = arith.constant 0 : i32
        %dma_start3A_157 = arith.constant 0 : i32
        %dma_start3A_158 = tpu.memref_slice %arg12[%dma_start3A_156, %dma_start3A_157] : memref<10000x64xf32, #tpu.memory_space<vmem_shared>> -> memref<10000x64xf32, #tpu.memory_space<vmem_shared>>
        tpu.enqueue_indirect_dma source(%dma_start3A_152 : memref<40x64xf32, #tpu.memory_space<vmem>>) target(%dma_start3A_158 : memref<10000x64xf32, #tpu.memory_space<vmem_shared>>) offsets(%dma_start3A_155 : memref<40xi32, #tpu.memory_space<vmem>>) semaphore(%run_scoped3A_148 : memref<!tpu.dma_semaphore, #tpu.memory_space<semaphore_mem>>) {add = true}
        %dma_wait3A_159 = arith.constant 0 : i32
        %dma_wait3A_160 = arith.constant 0 : i32
        %dma_wait3A_161 = tpu.memref_slice %arg10[%run_scoped3A, %dma_wait3A_159, %dma_wait3A_160] : memref<2x40x64xf32, #tpu.memory_space<vmem>> -> memref<1x40x64xf32, #tpu.memory_space<vmem>>
        %dma_wait3A_162 = tpu.memref_squeeze %dma_wait3A_161 : memref<1x40x64xf32, #tpu.memory_space<vmem>> -> memref<40x64xf32, #tpu.memory_space<vmem>>
        %dma_wait3A_163 = arith.constant 0 : i32
        %dma_wait3A_164 = tpu.memref_slice %arg8[%add3A_87, %dma_wait3A_163] : memref<250x40xi32, #tpu.memory_space<vmem>> -> memref<1x40xi32, #tpu.memory_space<vmem>>
        %dma_wait3A_165 = tpu.memref_squeeze %dma_wait3A_164 : memref<1x40xi32, #tpu.memory_space<vmem>> -> memref<40xi32, #tpu.memory_space<vmem>>
        %dma_wait3A_166 = arith.constant 0 : i32
        %dma_wait3A_167 = arith.constant 0 : i32
        %dma_wait3A_168 = tpu.memref_slice %arg12[%dma_wait3A_166, %dma_wait3A_167] : memref<10000x64xf32, #tpu.memory_space<vmem_shared>> -> memref<10000x64xf32, #tpu.memory_space<vmem_shared>>
        tpu.wait_indirect_dma semaphore(%run_scoped3A_148 : memref<!tpu.dma_semaphore, #tpu.memory_space<semaphore_mem>>) src(%dma_wait3A_162 : memref<40x64xf32, #tpu.memory_space<vmem>>) dst(%dma_wait3A_168 : memref<10000x64xf32, #tpu.memory_space<vmem_shared>>)
        tpu.yield
      }) : () -> ()
      %mul3A_113 = arith.constant 2 : i32
      %mul3A_114 = arith.muli %scan3A_82, %mul3A_113 : i32
      %add3A_115 = arith.constant 1 : i32
      %add3A_116 = arith.addi %mul3A_114, %add3A_115 : i32
      %dma_wait3A_117 = arith.constant 1 : i32
      %dma_wait3A_118 = arith.constant 0 : i32
      %dma_wait3A_119 = arith.constant 0 : i32
      %dma_wait3A_120 = tpu.memref_slice %arg10[%dma_wait3A_117, %dma_wait3A_118, %dma_wait3A_119] : memref<2x40x64xf32, #tpu.memory_space<vmem>> -> memref<1x40x64xf32, #tpu.memory_space<vmem>>
      %dma_wait3A_121 = tpu.memref_squeeze %dma_wait3A_120 : memref<1x40x64xf32, #tpu.memory_space<vmem>> -> memref<40x64xf32, #tpu.memory_space<vmem>>
      %dma_wait3A_122 = arith.constant 0 : i32
      %dma_wait3A_123 = tpu.memref_slice %arg7[%add3A_116, %dma_wait3A_122] : memref<250x40xi32, #tpu.memory_space<vmem>> -> memref<1x40xi32, #tpu.memory_space<vmem>>
      %dma_wait3A_124 = tpu.memref_squeeze %dma_wait3A_123 : memref<1x40xi32, #tpu.memory_space<vmem>> -> memref<40xi32, #tpu.memory_space<vmem>>
      %dma_wait3A_125 = arith.constant 0 : i32
      %dma_wait3A_126 = arith.constant 0 : i32
      %dma_wait3A_127 = tpu.memref_slice %arg2[%add3A_45, %dma_wait3A_125, %dma_wait3A_126] : memref<4x10000x64xf32, #tpu.memory_space<hbm>> -> memref<1x10000x64xf32, #tpu.memory_space<hbm>>
      %dma_wait3A_128 = tpu.memref_squeeze %dma_wait3A_127 : memref<1x10000x64xf32, #tpu.memory_space<hbm>> -> memref<10000x64xf32, #tpu.memory_space<hbm>>
      %dma_wait3A_129 = arith.constant 0 : i32
      %dma_wait3A_130 = arith.constant 0 : i32
      %dma_wait3A_131 = tpu.memref_slice %dma_wait3A_128[%dma_wait3A_129, %dma_wait3A_130] : memref<10000x64xf32, #tpu.memory_space<hbm>> -> memref<10000x64xf32, #tpu.memory_space<hbm>>
      tpu.wait_indirect_dma semaphore(%arg14 : memref<!tpu.dma_semaphore, #tpu.memory_space<semaphore_mem>>) src(%dma_wait3A_131 : memref<10000x64xf32, #tpu.memory_space<hbm>>) dst(%dma_wait3A_121 : memref<40x64xf32, #tpu.memory_space<vmem>>)
      %add3A_132 = arith.constant 1 : i32
      %add3A_133 = arith.addi %add3A_116, %add3A_132 : i32
      %lt3A_134 = arith.constant 250 : i32
      %lt3A_135 = arith.cmpi slt, %add3A_133, %lt3A_134 : i32
      %convert_element_type3A_136 = arith.extui %lt3A_135 : i1 to i32
      %cond3A_137 = arith.constant 0 : i32
      %cond3A_138 = arith.cmpi ne, %convert_element_type3A_136, %cond3A_137 : i32
      scf.if %cond3A_138 {
        %add3A_148 = arith.constant 1 : i32
        %add3A_149 = arith.addi %add3A_116, %add3A_148 : i32
        %dma_start3A_150 = arith.constant 0 : i32
        %dma_start3A_151 = arith.constant 0 : i32
        %dma_start3A_152 = arith.constant 0 : i32
        %dma_start3A_153 = tpu.memref_slice %arg10[%dma_start3A_150, %dma_start3A_151, %dma_start3A_152] : memref<2x40x64xf32, #tpu.memory_space<vmem>> -> memref<1x40x64xf32, #tpu.memory_space<vmem>>
        %dma_start3A_154 = tpu.memref_squeeze %dma_start3A_153 : memref<1x40x64xf32, #tpu.memory_space<vmem>> -> memref<40x64xf32, #tpu.memory_space<vmem>>
        %dma_start3A_155 = arith.constant 0 : i32
        %dma_start3A_156 = tpu.memref_slice %arg7[%add3A_149, %dma_start3A_155] : memref<250x40xi32, #tpu.memory_space<vmem>> -> memref<1x40xi32, #tpu.memory_space<vmem>>
        %dma_start3A_157 = tpu.memref_squeeze %dma_start3A_156 : memref<1x40xi32, #tpu.memory_space<vmem>> -> memref<40xi32, #tpu.memory_space<vmem>>
        %dma_start3A_158 = arith.constant 0 : i32
        %dma_start3A_159 = arith.constant 0 : i32
        %dma_start3A_160 = tpu.memref_slice %arg2[%add3A_45, %dma_start3A_158, %dma_start3A_159] : memref<4x10000x64xf32, #tpu.memory_space<hbm>> -> memref<1x10000x64xf32, #tpu.memory_space<hbm>>
        %dma_start3A_161 = tpu.memref_squeeze %dma_start3A_160 : memref<1x10000x64xf32, #tpu.memory_space<hbm>> -> memref<10000x64xf32, #tpu.memory_space<hbm>>
        %dma_start3A_162 = arith.constant 0 : i32
        %dma_start3A_163 = arith.constant 0 : i32
        %dma_start3A_164 = tpu.memref_slice %dma_start3A_161[%dma_start3A_162, %dma_start3A_163] : memref<10000x64xf32, #tpu.memory_space<hbm>> -> memref<10000x64xf32, #tpu.memory_space<hbm>>
        tpu.enqueue_indirect_dma source(%dma_start3A_164 : memref<10000x64xf32, #tpu.memory_space<hbm>>) target(%dma_start3A_154 : memref<40x64xf32, #tpu.memory_space<vmem>>) offsets(%dma_start3A_157 : memref<40xi32, #tpu.memory_space<vmem>>) semaphore(%arg13 : memref<!tpu.dma_semaphore, #tpu.memory_space<semaphore_mem>>)
      } else {
      }
      %scan3A_139 = arith.constant 0 : i32
      %scan3A_140 = arith.constant 0 : i32
      %scan3A_141 = arith.constant 40 : i32
      %scan3A_142 = arith.addi %scan3A_140, %scan3A_141 : i32
      %scan3A_143 = arith.constant 1 : i32
      %scan3A_144 = scf.for %scan3A_148 = %scan3A_140 to %scan3A_142 step %scan3A_143 iter_args(%scan3A_149 = %scan3A_139) -> (i32)  : i32 {
        %mul3A_150 = arith.constant 40 : i32
        %mul3A_151 = arith.muli %add3A_116, %mul3A_150 : i32
        %add3A_152 = arith.addi %mul3A_151, %scan3A_148 : i32
        %broadcast_in_dim3A = vector.broadcast %add3A_152 : i32 to vector<16xi32>
        %gather3A = tpu.vector_load_idx %arg9[%broadcast_in_dim3A] : memref<10000xf32, #tpu.memory_space<vmem>>[vector<16xi32>], vector<16xf32>,
        %get3A = arith.constant 1 : i32
        %get3A_153 = arith.index_cast %get3A : i32 to index
        %get3A_154 = arith.index_cast %scan3A_148 : i32 to index
        %get3A_155 = arith.constant 0 : index
        %get3A_156 = tpu.vector_load %arg10[%get3A_153, %get3A_154, %get3A_155] {strides = array<i32>} : memref<2x40x64xf32, #tpu.memory_space<vmem>>, vector<16xf32>,
        %mul3A_157 = arith.mulf %get3A_156, %gather3A : vector<16xf32>
        %swap3A = arith.constant 1 : i32
        %swap3A_158 = arith.index_cast %swap3A : i32 to index
        %swap3A_159 = arith.index_cast %scan3A_148 : i32 to index
        %swap3A_160 = arith.constant 0 : index
        %swap3A_161 = tpu.vector_load %arg10[%swap3A_158, %swap3A_159, %swap3A_160] {strides = array<i32>} : memref<2x40x64xf32, #tpu.memory_space<vmem>>, vector<16xf32>,
        tpu.vector_store %arg10[%swap3A_158, %swap3A_159, %swap3A_160], %mul3A_157 {strides = array<i32>} : memref<2x40x64xf32, #tpu.memory_space<vmem>>, vector<16xf32>,
        %get3A_162 = arith.constant 1 : i32
        %get3A_163 = arith.index_cast %get3A_162 : i32 to index
        %get3A_164 = arith.index_cast %scan3A_148 : i32 to index
        %get3A_165 = arith.constant 16 : index
        %get3A_166 = tpu.vector_load %arg10[%get3A_163, %get3A_164, %get3A_165] {strides = array<i32>} : memref<2x40x64xf32, #tpu.memory_space<vmem>>, vector<16xf32>,
        %mul3A_167 = arith.mulf %get3A_166, %gather3A : vector<16xf32>
        %swap3A_168 = arith.constant 1 : i32
        %swap3A_169 = arith.index_cast %swap3A_168 : i32 to index
        %swap3A_170 = arith.index_cast %scan3A_148 : i32 to index
        %swap3A_171 = arith.constant 16 : index
        %swap3A_172 = tpu.vector_load %arg10[%swap3A_169, %swap3A_170, %swap3A_171] {strides = array<i32>} : memref<2x40x64xf32, #tpu.memory_space<vmem>>, vector<16xf32>,
        tpu.vector_store %arg10[%swap3A_169, %swap3A_170, %swap3A_171], %mul3A_167 {strides = array<i32>} : memref<2x40x64xf32, #tpu.memory_space<vmem>>, vector<16xf32>,
        %get3A_173 = arith.constant 1 : i32
        %get3A_174 = arith.index_cast %get3A_173 : i32 to index
        %get3A_175 = arith.index_cast %scan3A_148 : i32 to index
        %get3A_176 = arith.constant 32 : index
        %get3A_177 = tpu.vector_load %arg10[%get3A_174, %get3A_175, %get3A_176] {strides = array<i32>} : memref<2x40x64xf32, #tpu.memory_space<vmem>>, vector<16xf32>,
        %mul3A_178 = arith.mulf %get3A_177, %gather3A : vector<16xf32>
        %swap3A_179 = arith.constant 1 : i32
        %swap3A_180 = arith.index_cast %swap3A_179 : i32 to index
        %swap3A_181 = arith.index_cast %scan3A_148 : i32 to index
        %swap3A_182 = arith.constant 32 : index
        %swap3A_183 = tpu.vector_load %arg10[%swap3A_180, %swap3A_181, %swap3A_182] {strides = array<i32>} : memref<2x40x64xf32, #tpu.memory_space<vmem>>, vector<16xf32>,
        tpu.vector_store %arg10[%swap3A_180, %swap3A_181, %swap3A_182], %mul3A_178 {strides = array<i32>} : memref<2x40x64xf32, #tpu.memory_space<vmem>>, vector<16xf32>,
        %get3A_184 = arith.constant 1 : i32
        %get3A_185 = arith.index_cast %get3A_184 : i32 to index
        %get3A_186 = arith.index_cast %scan3A_148 : i32 to index
        %get3A_187 = arith.constant 48 : index
        %get3A_188 = tpu.vector_load %arg10[%get3A_185, %get3A_186, %get3A_187] {strides = array<i32>} : memref<2x40x64xf32, #tpu.memory_space<vmem>>, vector<16xf32>,
        %mul3A_189 = arith.mulf %get3A_188, %gather3A : vector<16xf32>
        %swap3A_190 = arith.constant 1 : i32
        %swap3A_191 = arith.index_cast %swap3A_190 : i32 to index
        %swap3A_192 = arith.index_cast %scan3A_148 : i32 to index
        %swap3A_193 = arith.constant 48 : index
        %swap3A_194 = tpu.vector_load %arg10[%swap3A_191, %swap3A_192, %swap3A_193] {strides = array<i32>} : memref<2x40x64xf32, #tpu.memory_space<vmem>>, vector<16xf32>,
        tpu.vector_store %arg10[%swap3A_191, %swap3A_192, %swap3A_193], %mul3A_189 {strides = array<i32>} : memref<2x40x64xf32, #tpu.memory_space<vmem>>, vector<16xf32>,
        %scan3A_195 = arith.constant 0 : i32
        scf.yield %scan3A_195 : i32
      }
      %scan3A_145 = arith.constant 40 : i32
      %run_scoped3A_146 = arith.constant 1 : i32
      "tpu.region"() ({
        %run_scoped3A_148 = tpu.sem_alloc : memref<!tpu.dma_semaphore, #tpu.memory_space<semaphore_mem>>
        %dma_start3A_149 = arith.constant 0 : i32
        %dma_start3A_150 = arith.constant 0 : i32
        %dma_start3A_151 = tpu.memref_slice %arg10[%run_scoped3A_146, %dma_start3A_149, %dma_start3A_150] : memref<2x40x64xf32, #tpu.memory_space<vmem>> -> memref<1x40x64xf32, #tpu.memory_space<vmem>>
        %dma_start3A_152 = tpu.memref_squeeze %dma_start3A_151 : memref<1x40x64xf32, #tpu.memory_space<vmem>> -> memref<40x64xf32, #tpu.memory_space<vmem>>
        %dma_start3A_153 = arith.constant 0 : i32
        %dma_start3A_154 = tpu.memref_slice %arg8[%add3A_116, %dma_start3A_153] : memref<250x40xi32, #tpu.memory_space<vmem>> -> memref<1x40xi32, #tpu.memory_space<vmem>>
        %dma_start3A_155 = tpu.memref_squeeze %dma_start3A_154 : memref<1x40xi32, #tpu.memory_space<vmem>> -> memref<40xi32, #tpu.memory_space<vmem>>
        %dma_start3A_156 = arith.constant 0 : i32
        %dma_start3A_157 = arith.constant 0 : i32
        %dma_start3A_158 = tpu.memref_slice %arg12[%dma_start3A_156, %dma_start3A_157] : memref<10000x64xf32, #tpu.memory_space<vmem_shared>> -> memref<10000x64xf32, #tpu.memory_space<vmem_shared>>
        tpu.enqueue_indirect_dma source(%dma_start3A_152 : memref<40x64xf32, #tpu.memory_space<vmem>>) target(%dma_start3A_158 : memref<10000x64xf32, #tpu.memory_space<vmem_shared>>) offsets(%dma_start3A_155 : memref<40xi32, #tpu.memory_space<vmem>>) semaphore(%run_scoped3A_148 : memref<!tpu.dma_semaphore, #tpu.memory_space<semaphore_mem>>) {add = true}
        %dma_wait3A_159 = arith.constant 0 : i32
        %dma_wait3A_160 = arith.constant 0 : i32
        %dma_wait3A_161 = tpu.memref_slice %arg10[%run_scoped3A_146, %dma_wait3A_159, %dma_wait3A_160] : memref<2x40x64xf32, #tpu.memory_space<vmem>> -> memref<1x40x64xf32, #tpu.memory_space<vmem>>
        %dma_wait3A_162 = tpu.memref_squeeze %dma_wait3A_161 : memref<1x40x64xf32, #tpu.memory_space<vmem>> -> memref<40x64xf32, #tpu.memory_space<vmem>>
        %dma_wait3A_163 = arith.constant 0 : i32
        %dma_wait3A_164 = tpu.memref_slice %arg8[%add3A_116, %dma_wait3A_163] : memref<250x40xi32, #tpu.memory_space<vmem>> -> memref<1x40xi32, #tpu.memory_space<vmem>>
        %dma_wait3A_165 = tpu.memref_squeeze %dma_wait3A_164 : memref<1x40xi32, #tpu.memory_space<vmem>> -> memref<40xi32, #tpu.memory_space<vmem>>
        %dma_wait3A_166 = arith.constant 0 : i32
        %dma_wait3A_167 = arith.constant 0 : i32
        %dma_wait3A_168 = tpu.memref_slice %arg12[%dma_wait3A_166, %dma_wait3A_167] : memref<10000x64xf32, #tpu.memory_space<vmem_shared>> -> memref<10000x64xf32, #tpu.memory_space<vmem_shared>>
        tpu.wait_indirect_dma semaphore(%run_scoped3A_148 : memref<!tpu.dma_semaphore, #tpu.memory_space<semaphore_mem>>) src(%dma_wait3A_162 : memref<40x64xf32, #tpu.memory_space<vmem>>) dst(%dma_wait3A_168 : memref<10000x64xf32, #tpu.memory_space<vmem_shared>>)
        tpu.yield
      }) : () -> ()
      %scan3A_147 = arith.constant 0 : i32
      scf.yield %scan3A_147 : i32
    }
    %scan3A_76 = arith.constant 125 : i32
    %barrier3A_77 = arith.constant 0 : index
    tpu.barrier barrier_id(%barrier3A_77)
    %mul3A_78 = arith.constant 625 : i32
    %mul3A_79 = arith.muli %arg1, %mul3A_78 : i32
    %mul3A_80 = arith.constant 625 : i32
    %mul3A_81 = arith.muli %arg1, %mul3A_80 : i32
    "tpu.region"() ({
      %run_scoped3A = tpu.sem_alloc : memref<!tpu.dma_semaphore, #tpu.memory_space<semaphore_mem>>
      %dma_start3A_82 = arith.constant 0 : i32
      %dma_start3A_83 = tpu.memref_slice %arg6[%mul3A_81, %add3A_45, %dma_start3A_82] : memref<10000x4x64xf32, #tpu.memory_space<hbm>> -> memref<625x1x64xf32, #tpu.memory_space<hbm>>
      %dma_start3A_84 = tpu.memref_squeeze %dma_start3A_83 : memref<625x1x64xf32, #tpu.memory_space<hbm>> -> memref<625x64xf32, #tpu.memory_space<hbm>>
      %dma_start3A_85 = arith.constant 0 : i32
      %dma_start3A_86 = tpu.memref_slice %arg12[%mul3A_79, %dma_start3A_85] : memref<10000x64xf32, #tpu.memory_space<vmem_shared>> -> memref<625x64xf32, #tpu.memory_space<vmem_shared>>
      tpu.enqueue_dma source(%dma_start3A_86 : memref<625x64xf32, #tpu.memory_space<vmem_shared>>) target(%dma_start3A_84 : memref<625x64xf32, #tpu.memory_space<hbm>>) target_semaphore(%run_scoped3A : memref<!tpu.dma_semaphore, #tpu.memory_space<semaphore_mem>>)
      %dma_wait3A = arith.constant 0 : i32
      %dma_wait3A_87 = tpu.memref_slice %arg6[%mul3A_81, %add3A_45, %dma_wait3A] : memref<10000x4x64xf32, #tpu.memory_space<hbm>> -> memref<625x1x64xf32, #tpu.memory_space<hbm>>
      %dma_wait3A_88 = tpu.memref_squeeze %dma_wait3A_87 : memref<625x1x64xf32, #tpu.memory_space<hbm>> -> memref<625x64xf32, #tpu.memory_space<hbm>>
      %dma_wait3A_89 = arith.constant 0 : i32
      %dma_wait3A_90 = tpu.memref_slice %arg12[%mul3A_79, %dma_wait3A_89] : memref<10000x64xf32, #tpu.memory_space<vmem_shared>> -> memref<625x64xf32, #tpu.memory_space<vmem_shared>>
      tpu.wait_dma2 semaphore(%run_scoped3A : memref<!tpu.dma_semaphore, #tpu.memory_space<semaphore_mem>>) src(%dma_wait3A_90 : memref<625x64xf32, #tpu.memory_space<vmem_shared>>) dst(%dma_wait3A_88 : memref<625x64xf32, #tpu.memory_space<hbm>>)
      tpu.yield
    }) : () -> ()
    return
  }
}

module attributes {stable_mosaic.version = 14 : i64} {
  func.func @_mm_body(%arg0: i32, %arg1: i32, %arg2: memref<1000x256xf32, #tpu.memory_space<vmem>>, %arg3: memref<64x256xf32, #tpu.memory_space<vmem>>, %arg4: memref<1x1x64xf32, #tpu.memory_space<vmem>>, %arg5: memref<1x1000x64xf32, #tpu.memory_space<vmem>>) attributes {dimension_semantics = [#tpu.dimension_semantics<arbitrary>, #tpu.dimension_semantics<arbitrary>], iteration_bounds = array<i64: 4, 10>, scalar_prefetch = 0 : i64, scratch_operands = 0 : i64, tpu.core_type = #tpu.core_type<tc>, window_params = [{transform_indices = @transform_0, window_bounds = array<i64: 1000, 256>}, {transform_indices = @transform_1, window_bounds = array<i64: 64, 256>}, {transform_indices = @transform_2, window_bounds = array<i64: 1, 1, 64>}, {transform_indices = @transform_3, window_bounds = array<i64: 1, 1000, 64>}]} {
    %get3A = arith.constant 0 : index
    %get3A_0 = arith.constant 0 : index
    %get3A_1 = vector.load %arg2[%get3A, %get3A_0] : memref<1000x256xf32, #tpu.memory_space<vmem>>, vector<1000x256xf32>
    %get3A_2 = arith.constant 0 : index
    %get3A_3 = arith.constant 0 : index
    %get3A_4 = vector.load %arg3[%get3A_2, %get3A_3] : memref<64x256xf32, #tpu.memory_space<vmem>>, vector<64x256xf32>
    %dot_general3A = arith.constant dense<0.000000e+00> : vector<1000x64xf32>
    %dot_general3A_5 = tpu.matmul %get3A_1, %get3A_4, %dot_general3A {dimension_numbers = #tpu.dot_dimension_numbers<[1], [1], [0], [0], [0, 0, 1, 0], [], []>, transpose_lhs_hint = false} : vector<1000x256xf32>, vector<64x256xf32>, vector<1000x64xf32> -> vector<1000x64xf32>
    %get3A_6 = arith.constant 0 : index
    %get3A_7 = arith.constant 0 : index
    %get3A_8 = arith.constant 0 : index
    %get3A_9 = vector.load %arg4[%get3A_6, %get3A_7, %get3A_8] : memref<1x1x64xf32, #tpu.memory_space<vmem>>, vector<1x1x64xf32>
    %get3A_10 = vector.shape_cast %get3A_9 : vector<1x1x64xf32> to vector<1x64xf32>
    %add3A = vector.broadcast %get3A_10 : vector<1x64xf32> to vector<1000x64xf32>
    %add3A_11 = arith.addf %dot_general3A_5, %add3A : vector<1000x64xf32>
    %broadcast_in_dim3A = vector.shape_cast %add3A_11 : vector<1000x64xf32> to vector<1x1000x64xf32>
    %swap3A = arith.constant 0 : index
    %swap3A_12 = arith.constant 0 : index
    %swap3A_13 = arith.constant 0 : index
    %swap3A_14 = vector.load %arg5[%swap3A, %swap3A_12, %swap3A_13] : memref<1x1000x64xf32, #tpu.memory_space<vmem>>, vector<1x1000x64xf32>
    tpu.vector_store %arg5[%swap3A, %swap3A_12, %swap3A_13], %broadcast_in_dim3A {strides = array<i32>} : memref<1x1000x64xf32, #tpu.memory_space<vmem>>, vector<1x1000x64xf32>,
    return
  }
  func.func @transform_0(%arg0: i32, %arg1: i32) -> (i32, i32) {
    %c0_i32 = arith.constant 0 : i32
    %c0_i32_0 = arith.constant 0 : i32
    return %arg1, %c0_i32 : i32, i32
  }
  func.func @transform_1(%arg0: i32, %arg1: i32) -> (i32, i32) {
    %c0_i32 = arith.constant 0 : i32
    %c0_i32_0 = arith.constant 0 : i32
    return %arg0, %c0_i32 : i32, i32
  }
  func.func @transform_2(%arg0: i32, %arg1: i32) -> (i32, i32, i32) {
    %c0_i32 = arith.constant 0 : i32
    %c0_i32_0 = arith.constant 0 : i32
    %c0_i32_1 = arith.constant 0 : i32
    return %arg0, %c0_i32, %c0_i32_0 : i32, i32, i32
  }
  func.func @transform_3(%arg0: i32, %arg1: i32) -> (i32, i32, i32) {
    %c0_i32 = arith.constant 0 : i32
    %c0_i32_0 = arith.constant 0 : i32
    return %arg0, %arg1, %c0_i32 : i32, i32, i32
  }
}

</mosaic_0001>

<sc_bundles>
// kernel: kernel.4.cloned.1.call-start
scs
__scs_entry_jumppad:
0x0: {  	(pc) =	sbr.rel $0x88, $3  }
0x1: {  	(tag) =	ssettag $0x0;
	lr =	simm.s32 $0x1  }
0x2: {  	[smem:$0x3F9C] =	sst lr;
	_ =	strace $0xD0000000  }
0x3: {  	_ = 	snop  }
0x4: {  	_ = 	snop  }
0x5: {  	_ = 	snop  }
0x6: {  	_ = 	snop  }
0x7: {  	_ = 	snop  }
__scs_overlays_trampoline_lowered:
0x8: {  	[smem:$0x3FAB] =	sst s0  }
0x9: {  	[smem:$0x3FAC] =	sst s1  }
0xa: {  	[smem:$0x3FAD] =	sst s2  }
0xb: {  	[smem:$0x3FAE] =	sst s3  }
0xc: {  	[smem:$0x3FAF] =	sst s4  }
0xd: {  	[smem:$0x3FB0] =	sst s5  }
0xe: {  	[smem:$0x3FB1] =	sst s6  }
0xf: {  	[smem:$0x3FB2] =	sst s7  }
0x10: {  	[smem:$0x3FB3] =	sst s8  }
0x11: {  	[smem:$0x3FB4] =	sst s9;
	s0 =	simm.s32 @!p0 $0x0  }
0x12: {  	s1 =	sld [smem:$0x3F9A];
	s0 =	simm.s32 @p0 $0x1  }
0x13: {  	[smem:$0x3FB5] =	sst s0;
	s0 =	simm.s32 @!p1 $0x0  }
0x14: {  	s2 =	sld [smem:$0x3F99];
	s0 =	simm.s32 @p1 $0x1  }
0x15: {  	[smem:$0x3FB6] =	sst s0;
	s0 =	simm.s32 @!p2 $0x0  }
0x16: {  	s3 =	sld [smem:$0x3FDB];
	s0 =	simm.s32 @p2 $0x1  }
0x17: {  	s4 =	simm.s32 $0x1BF5;
	[smem:$0x3FB8] =	sst s0  }
0x18: {  	s0 =	sld [smem:$0x3F9B];
	_ =	swait.ge [sflag:s4], $0x0  }
0x19: {  	s7 =	sld [smem:$0x3F9C]  }
0x1a: {  	s8 =	sadd.s32 $0xFFFFE003, lr  }
0x1b: {  	s9 =	sadd.s32 $0xFFFFFEF7, lr;
	s5 =	simm.s32 $0xFFFFFFFF;
	p2 =	slt.u32 s8, $0xFFFFF086  }
0x1c: {  	p1 =	slt.u32 s9, $0xF7A;
	s5 =	simm.s32 @!p2 $0x0  }
0x1d: {  	s5 =	simm.s32 @p1 $0x1;
	p0 =	seq.s32 s7, s2  }
0x1e: {  	s7 =	smul.u32 @!p0 $0xF7A, s2;
	p2 =	seq.s32 @!p0 s5, $0x0  }
0x1f: {  	s9 =	smul.u32 $0xF7A, s1;
	s8 =	simm.s32 @!p0 $0x1BF5;
	p2 =	por !p2, p0  }
0x20: {  	[sflag:s8] =	ssyncset.s32 @!p0 $0xFFFFF086;
	s6 =	sadd.s32 @!p0 s3, s7;
	s7 =	simm.s32 @!p0 $0x108  }
0x21: {  	s3 =	sadd.s32 s3, s9;
	s6 =	sadd.s32 @!p0 $0x88, s6;
	s7 =	simm.s32 @p2 $0x1082  }
0x22: {  	[simem:s7], [sflag:s8] =	dma.local @!p0 [hbm:s6], $0xF7A  }
0x23: {  	s9 =	sor.u32 $0xD0000000, s2;
	s6 =	simm.s32 $0x108;
	_ =	swait.ge @!p0 [sflag:s8], $0x0  }
0x24: {  	s3 =	sadd.s32 $0x88, s3;
	s6 =	simm.s32 @!p1 $0x1082;
	[sflag:s4] =	ssyncset.s32 $0xFFFFF086  }
0x25: {  	[simem:s6], [sflag:s4] =	dma.local [hbm:s3], $0xF7A  }
0x26: {  	[smem:$0x3F9C] =	sst s1;
	(tag) =	ssettag s2;
	_ =	strace s9  }
0x27: {  	s1 =	sld [smem:$0x3FAC]  }
0x28: {  	s2 =	sld [smem:$0x3FAD]  }
0x29: {  	s4 =	sld [smem:$0x3FAF]  }
0x2a: {  	p0 =	seq.s32 s5, $0x0;
	s5 =	sld [smem:$0x3FB0]  }
0x2b: {  	s6 =	sld [smem:$0x3FB1]  }
0x2c: {  	s7 =	sld [smem:$0x3FB2]  }
0x2d: {  	s3 =	simm.s32 $0x108;
	s8 =	sld [smem:$0x3FB3]  }
0x2e: {  	s3 =	simm.s32 @!p0 $0x1082;
	s9 =	sld [smem:$0x3FB4]  }
0x2f: {  	lr =	sadd.s32 s0, s3;
	s0 =	sld [smem:$0x3FAB]  }
0x30: {  	s3 =	sld [smem:$0x3FAE]  }
0x31: {  	[smem:$0x3FB7] =	sst s10  }
0x32: {  	s10 =	sld [smem:$0x3FB5];
	_ =	sdelay $0x3  }
0x33: {  	p0 =	seq.s32 s10, $0x1;
	s10 =	sld [smem:$0x3FB7];
	_ =	sdelay $0x3  }
0x34: {  	[smem:$0x3FB7] =	sst s10  }
0x35: {  	s10 =	sld [smem:$0x3FB6];
	_ =	sdelay $0x3  }
0x36: {  	p1 =	seq.s32 s10, $0x1;
	s10 =	sld [smem:$0x3FB7];
	_ =	sdelay $0x3  }
0x37: {  	[smem:$0x3FB7] =	sst s10  }
0x38: {  	s10 =	sld [smem:$0x3FB8]  }
0x39: {  	_ = 	snop;
	(pc) =	sbr.ind lr, $3  }
0x3a: {  	_ = 	snop  }
0x3b: {  	_ = 	snop  }
0x3c: {  	p2 =	seq.s32 s10, $0x1;
	s10 =	sld [smem:$0x3FB7]  }
0x3d: {  	_ =	shalt  }
0x3e: {  	_ =	shalt  }
0x3f: {  	_ =	shalt  }
0x40: {  	_ =	shalt  }
0x41: {  	_ =	shalt  }
0x42: {  	_ =	shalt  }
0x43: {  	_ =	shalt  }
0x44: {  	_ =	shalt  }
0x45: {  	_ =	shalt  }
0x46: {  	_ =	shalt  }
0x47: {  	_ =	shalt  }
0x48: {  	_ =	shalt  }
0x49: {  	_ =	shalt  }
0x4a: {  	_ =	shalt  }
0x4b: {  	_ =	shalt  }
0x4c: {  	_ =	shalt  }
0x4d: {  	_ =	shalt  }
0x4e: {  	_ =	shalt  }
0x4f: {  	_ =	shalt  }
0x50: {  	_ =	shalt  }
0x51: {  	_ =	shalt  }
0x52: {  	_ =	shalt  }
0x53: {  	_ =	shalt  }
0x54: {  	_ =	shalt  }
0x55: {  	_ =	shalt  }
0x56: {  	_ =	shalt  }
0x57: {  	_ =	shalt  }
0x58: {  	_ =	shalt  }
0x59: {  	_ =	shalt  }
0x5a: {  	_ =	shalt  }
0x5b: {  	_ =	shalt  }
0x5c: {  	_ =	shalt  }
0x5d: {  	_ =	shalt  }
0x5e: {  	_ =	shalt  }
0x5f: {  	_ =	shalt  }
0x60: {  	_ =	shalt  }
0x61: {  	_ =	shalt  }
0x62: {  	_ =	shalt  }
0x63: {  	_ =	shalt  }
0x64: {  	_ =	shalt  }
0x65: {  	_ =	shalt  }
0x66: {  	_ =	shalt  }
0x67: {  	_ =	shalt  }
0x68: {  	_ =	shalt  }
0x69: {  	_ =	shalt  }
0x6a: {  	_ =	shalt  }
0x6b: {  	_ =	shalt  }
0x6c: {  	_ =	shalt  }
0x6d: {  	_ =	shalt  }
0x6e: {  	_ =	shalt  }
0x6f: {  	_ =	shalt  }
0x70: {  	_ =	shalt  }
0x71: {  	_ =	shalt  }
0x72: {  	_ =	shalt  }
0x73: {  	_ =	shalt  }
0x74: {  	_ =	shalt  }
0x75: {  	_ =	shalt  }
0x76: {  	_ =	shalt  }
0x77: {  	_ =	shalt  }
0x78: {  	_ =	shalt  }
0x79: {  	_ =	shalt  }
0x7a: {  	_ =	shalt  }
0x7b: {  	_ =	shalt  }
0x7c: {  	_ =	shalt  }
0x7d: {  	_ =	shalt  }
0x7e: {  	_ =	shalt  }
0x7f: {  	_ =	shalt  }
0x80: {  	_ =	shalt  }
0x81: {  	_ =	shalt  }
0x82: {  	_ =	shalt  }
0x83: {  	_ =	shalt  }
0x84: {  	_ =	shalt  }
0x85: {  	_ =	shalt  }
0x86: {  	_ =	shalt  }
0x87: {  	_ =	shalt  }
.Lfunc_end0:
.L_simem_size_0:
called_computation_lowered:
.L_overlay_start_0:
0x88: {  	s2 =	sld [smem:$0x3FD9]  }
0x89: {  	s3 =	sld [smem:$0x3FFE];
	_ =	sdelay $0x1  }
0x8a: {  	s1 =	srdreg.scid  }
0x8b: {  	s0 =	sand.u32 $0x1, s1  }
0x8c: {  	s17 =	sshll.u32 s0, $0xA;
	s2 =	sadd.s32 s3, s2  }
0x8d: {  	s2 =	sadd.s32 s2, s17  }
0x8e: {  	[smem:$0x3FC3] =	sst s2  }
0x8f: {  	_ = 	snop  }
0x90: {  	s2 =	sld [smem:$0x3FC7]  }
0x91: {  	s18 =	sld [smem:$0x3FD0];
	(tm) =	ssettm $0x1  }
0x92: {  	s4 =	sld [smem:$0x3FFB];
	_ =	sdelay $0x3  }
0x93: {  	_ =	strace s4  }
0x94: {  	s4 =	sld [smem:$0x3FFC];
	_ =	sdelay $0x3  }
0x95: {  	_ =	strace s4  }
0x96: {  	s4 =	sld [smem:$0x3FFD];
	_ =	sdelay $0x3  }
0x97: {  	_ =	strace s4  }
0x98: {  	_ =	strace $0x8FFFFFFF  }
0x99: {  	s19 =	sld [smem:$0x3FDB];
	_ =	sdelay $0x1  }
0x9a: {  	s5 =	simm.s32 $_scs_section_size  }
0x9b: {  	s6 =	simm.s32 $_size__tile_overlayer_lowered;
	s7 =	simm.s32 $_tile_overlayer_lowered  }
0x9c: {  	s22 =	simm.s32 $0x1BFF;
	s21 =	sshll.u32 s7, $0x1;
	s4 =	sadd.s32 s5, s19  }
0x9d: {  	s8 =	simm.s32 $0x0;
	s20 =	sshll.u32 s6, $0x1;
	s6 =	sadd.s32 s21, s4  }
0x9e: {  	[timem:s8], [sflag:s22] =	dma.local [hbm:s6], s20  }
0x9f: {  	_ =	swait.ge [sflag:s22], s20  }
0xa0: {  	s5 =	ssub.s32 $0x0, s20;
	[sflag:s22] =	ssyncset.done $0x0  }
0xa1: {  	[sflag:s22] =	ssyncadd.s32 s5;
	_ =	sdelay $0x1  }
0xa2: {  	s23 =	simm.s32 $0x1B8B  }
0xa3: {  	_ =	swait.ge [sflag:s23], $0x1  }
0xa4: {  	[sflag:s23] =	ssyncset.done $0x0  }
0xa5: {  	s25 =	simm.s32 $0x1B8E;
	s24 =	sld [smem:$0x3FFE];
	[sflag:s23] =	ssyncadd.s32 $0xFFFFFFFF  }
0xa6: {  	s26 =	simm.s32 $execute0_lowered;
	[smem:$0x3FD2] =	sst s25  }
0xa7: {  	s6 =	sshll.u32 s26, $0x1;
	_ =	strace $0x80000046;
	[dreg:$0x1] =	wrdreg $0xFFFFFFFF  }
0xa8: {  	s28 =	simm.s32 $_size_execute0_lowered;
	s4 =	sadd.s32 s4, s6;
	[dreg:$0x0] =	wrdreg $0x0  }
0xa9: {  	s6 =	sshll.u32 s28, $0x1;
	[dreg:$0x2] =	wrdreg s4  }
0xaa: {  	[dreg:$0x3] =	wrdreg s6  }
0xab: {  	[dreg:$0x4] =	wrdreg $0xC0  }
0xac: {  	_ =	task [dreg:s8], $0x5FFFF  }
0xad: {  	[dreg:$0x1] =	wrdreg $0xFFFFFFFF  }
0xae: {  	[dreg:$0x0] =	wrdreg $0x60  }
0xaf: {  	[dreg:$0x2] =	wrdreg s18  }
0xb0: {  	[dreg:$0x3] =	wrdreg s24  }
0xb1: {  	[dreg:$0x4] =	wrdreg s2  }
0xb2: {  	[dreg:$0x5] =	wrdreg $0xA8700  }
0xb3: {  	[dreg:$0x6] =	wrdreg $0x9  }
0xb4: {  	_ =	task.clear_ibuf [dreg:s8], $0x7FFFF;
	_ =	strace $0x90000046  }
0xb5: {  	s29 =	simm.s32 $0x9;
	_ =	strace $0x80000048  }
0xb6: {  	_ =	swait.ge [sflag:s29], $0x1  }
0xb7: {  	[sflag:s29] =	ssyncadd.s32 $0xFFFFFFFF  }
0xb8: {  	_ =	strace $0x90000048  }
0xb9: {  	_ =	sfence  }
0xba: {  	s30 =	sld [smem:$0x0];
	_ =	sdelay $0x2  }
0xbb: {  	s31 =	sshll.u32 s1, $0xD;
	s1 =	sshrl.u32 s1, $0x2  }
0xbc: {  	s3 =	sand.u32 $0x4000, s31;
	s1 =	sadd.s32 s1, s30  }
0xbd: {  	s0 =	sor.u32 s3, s0;
	s1 =	sshll.u32 s1, $0x11  }
0xbe: {  	s0 =	sor.u32 s1, s0  }
0xbf: {  	s0 =	sadd.s32 $0x8F2B, s0  }
0xc0: {  	[sflag:s0] =	ssyncadd.remote.s32 $0x1  }
0xc1: {  	_ =	sfence.sel $0xFFFF  }
0xc2: {  	[dreg:$0x0] =	wrdreg $0xFFFFFFFF;
	(pc) =	sbr.abs _section_cstart, $3  }
0xc3: {  	[dreg:$0x1] =	wrdreg $0xFFFFFFFF  }
0xc4: {  	_ =	task.clear_ibuf [dreg:s8], $0x2FFFF;
	_ =	strace $0x9FFFFFFF  }
0xc5: {  	(tm) =	ssettm $0x7FFFFFFF  }
tec
execute0_lowered:
.L_overlay_start_1:
0x0: {  	(tag) =	ssettag $0x1  }
0x1: {  	s0 =	rddreg [dreg:$0x0]  }
0x2: {  	s1 =	rddreg [dreg:$0x1]  }
0x3: {  	s4 =	rddreg [dreg:$0x2]  }
0x4: {  	s2 =	rddreg [dreg:$0x3];
	s11 =	stileid.u32  }
0x5: {  	s3 =	simm.s32 $0x0;
	s6 =	srdreg.scid;
	s17 =	simm.s32 $0x3  }
0x6: {  	s19 =	simm.s32 $0x4E20;
	s20 =	simm.s32 $0x8930;
	s21 =	simm.s32 $0x7530  }
0x7: {  	s22 =	simm.s32 $0x1;
	s28 =	simm.s32 $0x8;
	s29 =	simm.s32 $0x0  }
0x8: {  	s5 =	smul.u32 $0x4E2, s11;
	[smem:$0x7FF] =	sst s3;
	s6 =	sand.u32 $0x1, s6  }
0x9: {  	s24 =	smul.u32 $0x27100, s11;
	_ =	strace $0x80000047;
	s8 =	ssub.s32 $0x2, s6  }
0xa: {  	s10 =	smul.u32 $0x27100, s6;
	s25 =	sshll.u32 s6, $0x7;
	s26 =	sshllo.u32 s6, $0x1  }
0xb: {  	s7 =	sadd.s32 s5, s1;
	s1 =	sadd.s32 $0xA200, s1;
	s9 =	sshrl.u32 s8, $0x1  }
0xc: {  	s4 =	sadd.s32 s4, s5;
	s6 =	smul.u32 $0x13880, s26;
	s5 =	sshll.u32 s26, $0x6  }
0xd: {  	s30 =	sshrl.u32 s24, $0x2;
	s26 =	simm.s32 $0x20;
	s8 =	ssub.s32 s8, s9  }
0xe: {  	s23 =	sadd.s32 $0x5200, s7;
	s7 =	sadd.s32 $0x200, s7;
	[dreg:$0x7] =	wrdreg s4  }
0xf: {  	s4 =	sor.u32 s25, s24;
	s5 =	sor.u32 s24, s5;
	s9 =	sadd.s32 s30, s2  }
0x10: {  	s24 =	simm.s32 $0x7F30;
	s25 =	simm.s32 $0x2;
	[dreg:$0x5] =	wrdreg s23  }
0x11: {  	[dreg:$0x6] =	wrdreg s7;
	s7 =	sadd.s32 s0, s10;
	s4 =	sshrl.u32 s4, $0x3  }
0x12: {  	s10 =	sadd.s32 s0, s6;
	s31 =	sshrl.u32 s5, $0x3;
	s12 =	smax.u32 s8, $0x1  }
0x13: {  	s13 =	sadd.s32 $0x1F40, s9;
	s14 =	sadd.s32 $0x3E80, s9;
	s4 =	sadd.s32 s1, s4  }
0x14: {  	s15 =	sadd.s32 $0x5DC0, s9;
	s0 =	sadd.s32 s1, s31;
	[dreg:$0x8] =	wrdreg s4  }
0x15: {  	v0 =	vimm.f32 $0.0e+00;
	s16 =	sadd.s32 $0x7D00, s9;
	s23 =	simm.s32 $0x28;
	[dreg:$0x9] =	wrdreg s0  }
.LBB2_1:
0x16: {  	s0 =	rddreg [dreg:$0x5]  }
0x17: {  	[tilespmem:s3], [sflag:$0x3] =	stream.linear.gather [hbm4b:s0+s3], $0x2710, $0x38;
	[tilespmem:$0x144B0] =	vst v63  }
0x18: {  	_ =	swait.ge [sflag:s17], $0x2710  }
0x19: {  	[sflag:s17] =	ssyncset.done $0x0  }
0x1a: {  	s1 =	simm.s32 $0x2710;
	s30 =	rddreg [dreg:$0x6];
	[sflag:s17] =	ssyncadd.s32 $0xFFFFD8F0  }
0x1b: {  	[tilespmem:s1], [sflag:$0x3] =	stream.linear.gather [hbm4b:s30+s3], $0x2710, $0x38;
	[tilespmem:$0x144B0] =	vst v63  }
0x1c: {  	_ =	swait.ge [sflag:s17], $0x2710  }
0x1d: {  	[sflag:s17] =	ssyncset.done $0x0  }
0x1e: {  	s31 =	rddreg [dreg:$0x7];
	[sflag:s17] =	ssyncadd.s32 $0xFFFFD8F0  }
0x1f: {  	[tilespmem:s19], [sflag:$0x3] =	stream.linear.gather [hbm4b:s31+s3], $0x2710, $0x38;
	[tilespmem:$0x144B0] =	vst v63  }
0x20: {  	_ =	swait.ge [sflag:s17], $0x2710  }
0x21: {  	[sflag:s17] =	ssyncset.done $0x0  }
0x22: {  	s0 =	simm.s32 $0x0;
	s1 =	simm.s32 $0x100;
	[sflag:s17] =	ssyncadd.s32 $0xFFFFD8F0  }
.LBB2_2:
0x23: {  	p0 =	sne.s32 s1, $0x7C00;
	[tilespmem:s0+$0x8960] =	vst v0;
	s4 =	smov.u32 s1;
	s1 =	sadd.s32 $0x100, s1  }
.Ltmp0:
0x24: {  	[tilespmem:s0+$0x8950] =	vst v0;
	(pc) =	sbr.rel @p0 .LBB2_2-.Ltmp0, $3  }
0x25: {  	[tilespmem:s0+$0x8930] =	vst v0  }
0x26: {  	[tilespmem:s0+$0x8940] =	vst v0;
	_ =	sdelay $0x1  }
0x27: {  	s0 =	sshra.s32 s4, $0x2  }
0x28: {  	[tilespmem:s0+$0x8960] =	vst v0  }
0x29: {  	[tilespmem:s0+$0x8950] =	vst v0  }
0x2a: {  	[tilespmem:s0+$0x8930] =	vst v0  }
0x2b: {  	[tilespmem:s0+$0x8940] =	vst v0  }
0x2c: {  	[spmem:s9] =	stream.linear.scatter [tilespmem:s20], [sflag:$0x3], $0x1F40, $0x38;
	[tilespmem:$0x144B0] =	vst v63  }
0x2d: {  	_ =	swait.ge [sflag:s17], $0x1F40  }
0x2e: {  	[sflag:s17] =	ssyncset.done $0x0  }
0x2f: {  	[sflag:s17] =	ssyncadd.s32 $0xFFFFE0C0  }
0x30: {  	[spmem:s13] =	stream.linear.scatter [tilespmem:s20], [sflag:$0x3], $0x1F40, $0x38;
	[tilespmem:$0x144B0] =	vst v63  }
0x31: {  	_ =	swait.ge [sflag:s17], $0x1F40  }
0x32: {  	[sflag:s17] =	ssyncset.done $0x0  }
0x33: {  	[sflag:s17] =	ssyncadd.s32 $0xFFFFE0C0  }
0x34: {  	[spmem:s14] =	stream.linear.scatter [tilespmem:s20], [sflag:$0x3], $0x1F40, $0x38;
	[tilespmem:$0x144B0] =	vst v63  }
0x35: {  	_ =	swait.ge [sflag:s17], $0x1F40  }
0x36: {  	[sflag:s17] =	ssyncset.done $0x0  }
0x37: {  	[sflag:s17] =	ssyncadd.s32 $0xFFFFE0C0  }
0x38: {  	[spmem:s15] =	stream.linear.scatter [tilespmem:s20], [sflag:$0x3], $0x1F40, $0x38;
	[tilespmem:$0x144B0] =	vst v63  }
0x39: {  	_ =	swait.ge [sflag:s17], $0x1F40  }
0x3a: {  	[sflag:s17] =	ssyncset.done $0x0  }
0x3b: {  	[sflag:s17] =	ssyncadd.s32 $0xFFFFE0C0  }
0x3c: {  	[spmem:s16] =	stream.linear.scatter [tilespmem:s20], [sflag:$0x3], $0x1F40, $0x38;
	[tilespmem:$0x144B0] =	vst v63  }
0x3d: {  	_ =	swait.ge [sflag:s17], $0x1F40  }
0x3e: {  	[sflag:s17] =	ssyncset.done $0x0  }
0x3f: {  	s30 =	simm.s32 $0x28;
	[sflag:s17] =	ssyncadd.s32 $0xFFFFE0C0  }
0x40: {  	s0 =	simm.s32 $0x0;
	s18 =	simm.s32 $0x0;
	[bflag:$0x0] =	sbarrier.arrive $0xFFFF  }
0x41: {  	[tilespmem:s21], [sflag:$0x1] =	stream.indirect.gather [hbm4b:s7+s30], $0x40, s0, s30, $0xb8;
	[tilespmem:$0x144B0] =	vst v63  }
.LBB2_4:
0x42: {  	s1 =	sshllo.u32 s18, $0x1  }
0x43: {  	_ =	swait.ge [sflag:s22], $0xA00;
	s4 =	sadd.s32 $0x0, s0;
	s1 =	smul.u32 $0xA0, s1  }
0x44: {  	[sflag:s22] =	ssyncset.done $0x0;
	v1 =	vmov s4  }
0x45: {  	s4 =	simm.s32 $0x7550;
	[sflag:s22] =	ssyncadd.s32 $0xFFFFF600;
	s1 =	sshra.s32 s1, $0x2  }
0x46: {  	[tilespmem:s24], [sflag:$0x2] =	stream.indirect.gather [hbm4b:s7+s23], $0x40, s1, s23, $0xb8;
	[tilespmem:$0x144B0] =	vst v63  }
0x47: {  	v3 =	vld [tilespmem:s4+$0xFFFFFFF0]  }
0x48: {  	v4 =	vld [tilespmem:s4+$0x10]  }
0x49: {  	v6 =	vld.idx.msk [tilespmem:v1+s19+$0x0], $0xffff  }
0x4a: {  	v1 =	vld [tilespmem:s4+$0xFFFFFFE0]  }
0x4b: {  	v7 =	vld [tilespmem:s4+$0x0];
	_ =	sdelay $0x3  }
0x4c: {  	s6 =	sadd.s32 $0x1, s0;
	v2 =	vmul.f32 v1, v6;
	v5 =	vmul.f32 v4, v6  }
0x4d: {  	s5 =	simm.s32 $0x2;
	v1 =	vmov s6;
	v4 =	vmul.f32 v3, v6;
	v3 =	vmul.f32 v7, v6;
	s6 =	simm.s32 $0x7550  }
.LBB2_5:
0x4e: {  	p0 =	sne.s32 s5, $0x27  }
0x4f: {  	[tilespmem:s4+$0x10] =	vst v5;
	s6 =	sadd.s32 $0x40, s6;
	s8 =	smov.u32 s5;
	s5 =	sadd.s32 $0x1, s5  }
0x50: {  	[tilespmem:s4+$0xFFFFFFE0] =	vst v2  }
0x51: {  	v6 =	vld [tilespmem:s6+$0xFFFFFFF0];
	[tilespmem:s4+$0xFFFFFFF0] =	vst v4  }
0x52: {  	v4 =	vld [tilespmem:s6+$0x10];
	[tilespmem:s4+$0x0] =	vst v3;
	s4 =	smov.u32 s6  }
0x53: {  	v3 =	vld.idx.msk [tilespmem:v1+s19+$0x0], $0xffff  }
0x54: {  	v1 =	vld [tilespmem:s6+$0xFFFFFFE0]  }
0x55: {  	v7 =	vld [tilespmem:s6+$0x0]  }
.Ltmp1:
0x56: {  	(pc) =	sbr.rel @p0 .LBB2_5-.Ltmp1, $3  }
0x57: {  	_ =	sdelay $0x1  }
0x58: {  	s8 =	sadd.s32 s8, s0;
	v5 =	vmul.f32 v4, v3;
	v2 =	vmul.f32 v1, v3  }
0x59: {  	v4 =	vmul.f32 v6, v3;
	v1 =	vmov s8;
	v3 =	vmul.f32 v7, v3  }
0x5a: {  	[tilespmem:s4+$0x10] =	vst v5  }
0x5b: {  	s5 =	sadd.s32 $0x40, s6;
	[tilespmem:s4+$0xFFFFFFE0] =	vst v2  }
0x5c: {  	v2 =	vld [tilespmem:s5+$0xFFFFFFF0];
	[tilespmem:s4+$0xFFFFFFF0] =	vst v4  }
0x5d: {  	v4 =	vld [tilespmem:s5+$0x10];
	[tilespmem:s4+$0x0] =	vst v3  }
0x5e: {  	v1 =	vld.idx.msk [tilespmem:v1+s19+$0x0], $0xffff  }
0x5f: {  	v3 =	vld [tilespmem:s5+$0xFFFFFFE0];
	_ =	sdelay $0x1  }
0x60: {  	v5 =	vld [tilespmem:s5+$0x0];
	_ =	sdelay $0x1  }
0x61: {  	v4 =	vmul.f32 v4, v1  }
0x62: {  	v3 =	vmul.f32 v3, v1  }
0x63: {  	s4 =	smul.u32 $0x140, s18;
	v2 =	vmul.f32 v2, v1;
	[tilespmem:s5+$0x10] =	vst v4  }
0x64: {  	v1 =	vmul.f32 v5, v1;
	[tilespmem:s5+$0xFFFFFFE0] =	vst v3  }
0x65: {  	s8 =	sshra.s32 s4, $0x2;
	[tilespmem:s5+$0xFFFFFFF0] =	vst v2  }
0x66: {  	s11 =	sadd.s32 $0x2710, s8;
	[tilespmem:s5+$0x0] =	vst v1  }
0x67: {  	[spmem:s2] =	stream.indirect.scatter.add.f32 [tilespmem:s21], [sflag:$0x3], $0x40, s11, s23, $0xb8;
	[tilespmem:$0x144B0] =	vst v63  }
0x68: {  	_ =	swait.ge [sflag:s17], $0xA00  }
0x69: {  	[sflag:s17] =	ssyncset.done $0x0  }
0x6a: {  	[sflag:s17] =	ssyncadd.s32 $0xFFFFF600  }
0x6b: {  	p0 =	seq.s32 s18, $0x7C;
	s31 =	sadd.s32 $0x0, s30;
	_ =	swait.ge [sflag:s25], $0xA00  }
0x6c: {  	s6 =	simm.s32 @!p0 $0x7530;
	s4 =	sshra.s32 @!p0 s4, $0x2;
	v1 =	vmov s31;
	[sflag:s25] =	ssyncset.done $0x0  }
0x6d: {  	s4 =	sadd.s32 @!p0 $0x50, s4;
	s5 =	simm.s32 @!p0 $0x28;
	[sflag:s25] =	ssyncadd.s32 $0xFFFFF600  }
0x6e: {  	[tilespmem:s6], [sflag:$0x1] =	stream.indirect.gather @!p0 [hbm4b:s7+s5], $0x40, s4, s5, $0xb8;
	[tilespmem:$0x144B0] =	vst v63  }
0x6f: {  	s4 =	simm.s32 $0x7F60  }
0x70: {  	v4 =	vld [tilespmem:s4+$0xFFFFFFE0]  }
0x71: {  	v1 =	vld.idx.msk [tilespmem:v1+s19+$0x0], $0xffff  }
0x72: {  	v5 =	vld [tilespmem:s4+$0xFFFFFFD0]  }
0x73: {  	v2 =	vld [tilespmem:s4+$0xFFFFFFF0]  }
0x74: {  	v3 =	vld [tilespmem:s4+$0x0];
	_ =	sdelay $0x3  }
0x75: {  	s8 =	sadd.s32 $0x1, s30;
	s6 =	simm.s32 $0x2;
	s5 =	simm.s32 $0x7F60;
	v5 =	vmul.f32 v5, v1;
	v4 =	vmul.f32 v4, v1  }
.LBB2_7:
0x76: {  	p0 =	sne.s32 s6, $0x27;
	v6 =	vmov s8;
	v7 =	vmul.f32 v2, v1;
	v1 =	vmul.f32 v3, v1  }
0x77: {  	[tilespmem:s4+$0xFFFFFFD0] =	vst v5  }
0x78: {  	s4 =	sadd.s32 $0x40, s4;
	[tilespmem:s5+$0xFFFFFFE0] =	vst v4  }
0x79: {  	v2 =	vld [tilespmem:s4+$0xFFFFFFF0];
	[tilespmem:s5+$0xFFFFFFF0] =	vst v7  }
0x7a: {  	v4 =	vld [tilespmem:s4+$0xFFFFFFE0];
	[tilespmem:s5+$0x0] =	vst v1;
	s5 =	smov.u32 s4  }
0x7b: {  	v1 =	vld.idx.msk [tilespmem:v6+s19+$0x0], $0xffff  }
0x7c: {  	v5 =	vld [tilespmem:s4+$0xFFFFFFD0]  }
.Ltmp2:
0x7d: {  	v3 =	vld [tilespmem:s4+$0x0];
	(pc) =	sbr.rel @p0 .LBB2_7-.Ltmp2, $2  }
0x7e: {  	_ =	sdelay $0x2  }
0x7f: {  	s8 =	sadd.s32 s6, s30;
	s6 =	sadd.s32 $0x1, s6;
	v4 =	vmul.f32 v4, v1;
	v5 =	vmul.f32 v5, v1  }
0x80: {  	v62 =	vmov s8  }
0x81: {  	v2 =	vmul.f32 v2, v1;
	[tilespmem:s4+$0xFFFFFFD0] =	vst v5  }
0x82: {  	s31 =	sadd.s32 $0x40, s4;
	v1 =	vmul.f32 v3, v1;
	[tilespmem:s5+$0xFFFFFFE0] =	vst v4  }
0x83: {  	v4 =	vld [tilespmem:s31+$0xFFFFFFF0];
	[tilespmem:s5+$0xFFFFFFF0] =	vst v2  }
0x84: {  	v2 =	vld [tilespmem:s31+$0xFFFFFFE0];
	[tilespmem:s5+$0x0] =	vst v1  }
0x85: {  	v1 =	vld.idx.msk [tilespmem:v62+s19+$0x0], $0xffff  }
0x86: {  	v3 =	vld [tilespmem:s31+$0xFFFFFFD0];
	_ =	sdelay $0x2  }
0x87: {  	v63 =	vld [tilespmem:s31+$0x0];
	_ =	sdelay $0x1  }
0x88: {  	v3 =	vmul.f32 v3, v1  }
0x89: {  	v2 =	vmul.f32 v2, v1  }
0x8a: {  	v4 =	vmul.f32 v4, v1;
	[tilespmem:s31+$0xFFFFFFD0] =	vst v3  }
0x8b: {  	s18 =	sadd.s32 $0x1, s18;
	v1 =	vmul.f32 v63, v1;
	[tilespmem:s31+$0xFFFFFFE0] =	vst v2  }
0x8c: {  	p0 =	sne.s32 s18, $0x7D;
	[tilespmem:s31+$0xFFFFFFF0] =	vst v4  }
.Ltmp3:
0x8d: {  	s1 =	sadd.s32 $0x2710, s1;
	[tilespmem:s31+$0x0] =	vst v1;
	(pc) =	sbr.rel @p0 .LBB2_4-.Ltmp3, $4  }
0x8e: {  	[spmem:s2] =	stream.indirect.scatter.add.f32 [tilespmem:s24], [sflag:$0x3], $0x40, s1, s23, $0xb8;
	[tilespmem:$0x144B0] =	vst v63  }
0x8f: {  	_ =	swait.ge [sflag:s17], $0xA00  }
0x90: {  	[sflag:s17] =	ssyncset.done $0x0  }
0x91: {  	s0 =	sadd.s32 $0x50, s0;
	s30 =	sadd.s32 $0x50, s30;
	[sflag:s17] =	ssyncadd.s32 $0xFFFFF600  }
0x92: {  	s0 =	stileid.u32  }
0x93: {  	[bflag:$0x0] =	sbarrier.arrive $0xFFFF;
	s0 =	sshll.u32 s0, $0x6  }
0x94: {  	s31 =	sshrl.u32 s9, $0x3;
	s18 =	rddreg [dreg:$0x8];
	s30 =	sor.u32 $0x1C03, s0  }
0x95: {  	[hbm:s18@s26], [sflag:s30] =	dma.strided [spmem:s31@s28], $0x1388, s22, $0x8   }
0x96: {  	_ =	swait.ge [sflag:s17], $0x1388  }
0x97: {  	[sflag:s17] =	ssyncset.done $0x0  }
0x98: {  	[sflag:s17] =	ssyncadd.s32 $0xFFFFEC78  }
0x99: {  	[spmem:s9] =	stream.linear.scatter [tilespmem:s20], [sflag:$0x3], $0x1F40, $0x38;
	[tilespmem:$0x144B0] =	vst v63  }
0x9a: {  	_ =	swait.ge [sflag:s17], $0x1F40  }
0x9b: {  	[sflag:s17] =	ssyncset.done $0x0  }
0x9c: {  	[sflag:s17] =	ssyncadd.s32 $0xFFFFE0C0  }
0x9d: {  	[spmem:s13] =	stream.linear.scatter [tilespmem:s20], [sflag:$0x3], $0x1F40, $0x38;
	[tilespmem:$0x144B0] =	vst v63  }
0x9e: {  	_ =	swait.ge [sflag:s17], $0x1F40  }
0x9f: {  	[sflag:s17] =	ssyncset.done $0x0  }
0xa0: {  	[sflag:s17] =	ssyncadd.s32 $0xFFFFE0C0  }
0xa1: {  	[spmem:s14] =	stream.linear.scatter [tilespmem:s20], [sflag:$0x3], $0x1F40, $0x38;
	[tilespmem:$0x144B0] =	vst v63  }
0xa2: {  	_ =	swait.ge [sflag:s17], $0x1F40  }
0xa3: {  	[sflag:s17] =	ssyncset.done $0x0  }
0xa4: {  	[sflag:s17] =	ssyncadd.s32 $0xFFFFE0C0  }
0xa5: {  	[spmem:s15] =	stream.linear.scatter [tilespmem:s20], [sflag:$0x3], $0x1F40, $0x38;
	[tilespmem:$0x144B0] =	vst v63  }
0xa6: {  	_ =	swait.ge [sflag:s17], $0x1F40  }
0xa7: {  	[sflag:s17] =	ssyncset.done $0x0  }
0xa8: {  	[sflag:s17] =	ssyncadd.s32 $0xFFFFE0C0  }
0xa9: {  	[spmem:s16] =	stream.linear.scatter [tilespmem:s20], [sflag:$0x3], $0x1F40, $0x38;
	[tilespmem:$0x144B0] =	vst v63  }
0xaa: {  	_ =	swait.ge [sflag:s17], $0x1F40  }
0xab: {  	[sflag:s17] =	ssyncset.done $0x0  }
0xac: {  	s1 =	simm.s32 $0x0;
	[sflag:s17] =	ssyncadd.s32 $0xFFFFE0C0  }
0xad: {  	s0 =	simm.s32 $0x28;
	s18 =	simm.s32 $0x0;
	[bflag:$0x0] =	sbarrier.arrive $0xFFFF  }
0xae: {  	[tilespmem:s21], [sflag:$0x1] =	stream.indirect.gather [hbm4b:s10+s0], $0x40, s18, s0, $0xb8;
	[tilespmem:$0x144B0] =	vst v63  }
.LBB2_10:
0xaf: {  	s4 =	sshllo.u32 s1, $0x1  }
0xb0: {  	_ =	swait.ge [sflag:s22], $0xA00;
	s5 =	sadd.s32 $0x0, s18;
	s4 =	smul.u32 $0xA0, s4  }
0xb1: {  	[sflag:s22] =	ssyncset.done $0x0;
	v1 =	vmov s5  }
0xb2: {  	s5 =	simm.s32 $0x7550;
	[sflag:s22] =	ssyncadd.s32 $0xFFFFF600;
	s4 =	sshra.s32 s4, $0x2  }
0xb3: {  	[tilespmem:s24], [sflag:$0x2] =	stream.indirect.gather [hbm4b:s10+s23], $0x40, s4, s23, $0xb8;
	[tilespmem:$0x144B0] =	vst v63  }
0xb4: {  	v3 =	vld [tilespmem:s5+$0xFFFFFFF0]  }
0xb5: {  	v4 =	vld [tilespmem:s5+$0x10]  }
0xb6: {  	v6 =	vld.idx.msk [tilespmem:v1+s19+$0x0], $0xffff  }
0xb7: {  	v1 =	vld [tilespmem:s5+$0xFFFFFFE0]  }
0xb8: {  	v7 =	vld [tilespmem:s5+$0x0];
	_ =	sdelay $0x3  }
0xb9: {  	s8 =	sadd.s32 $0x1, s18;
	v2 =	vmul.f32 v1, v6;
	v5 =	vmul.f32 v4, v6  }
0xba: {  	s6 =	simm.s32 $0x2;
	v1 =	vmov s8;
	v4 =	vmul.f32 v3, v6;
	v3 =	vmul.f32 v7, v6;
	s8 =	simm.s32 $0x7550  }
.LBB2_11:
0xbb: {  	p0 =	sne.s32 s6, $0x27  }
0xbc: {  	[tilespmem:s5+$0x10] =	vst v5;
	s8 =	sadd.s32 $0x40, s8;
	s11 =	smov.u32 s6;
	s6 =	sadd.s32 $0x1, s6  }
0xbd: {  	[tilespmem:s5+$0xFFFFFFE0] =	vst v2  }
0xbe: {  	v6 =	vld [tilespmem:s8+$0xFFFFFFF0];
	[tilespmem:s5+$0xFFFFFFF0] =	vst v4  }
0xbf: {  	v4 =	vld [tilespmem:s8+$0x10];
	[tilespmem:s5+$0x0] =	vst v3;
	s5 =	smov.u32 s8  }
0xc0: {  	v3 =	vld.idx.msk [tilespmem:v1+s19+$0x0], $0xffff  }
0xc1: {  	v1 =	vld [tilespmem:s8+$0xFFFFFFE0]  }
0xc2: {  	v7 =	vld [tilespmem:s8+$0x0]  }
.Ltmp4:
0xc3: {  	(pc) =	sbr.rel @p0 .LBB2_11-.Ltmp4, $3  }
0xc4: {  	_ =	sdelay $0x1  }
0xc5: {  	s11 =	sadd.s32 s11, s18;
	v5 =	vmul.f32 v4, v3;
	v2 =	vmul.f32 v1, v3  }
0xc6: {  	v4 =	vmul.f32 v6, v3;
	v1 =	vmov s11;
	v3 =	vmul.f32 v7, v3  }
0xc7: {  	[tilespmem:s5+$0x10] =	vst v5  }
0xc8: {  	s6 =	sadd.s32 $0x40, s8;
	[tilespmem:s5+$0xFFFFFFE0] =	vst v2  }
0xc9: {  	v2 =	vld [tilespmem:s6+$0xFFFFFFF0];
	[tilespmem:s5+$0xFFFFFFF0] =	vst v4  }
0xca: {  	v4 =	vld [tilespmem:s6+$0x10];
	[tilespmem:s5+$0x0] =	vst v3  }
0xcb: {  	v1 =	vld.idx.msk [tilespmem:v1+s19+$0x0], $0xffff  }
0xcc: {  	v3 =	vld [tilespmem:s6+$0xFFFFFFE0];
	_ =	sdelay $0x1  }
0xcd: {  	v5 =	vld [tilespmem:s6+$0x0];
	_ =	sdelay $0x1  }
0xce: {  	v4 =	vmul.f32 v4, v1  }
0xcf: {  	v3 =	vmul.f32 v3, v1  }
0xd0: {  	s5 =	smul.u32 $0x140, s1;
	v2 =	vmul.f32 v2, v1;
	[tilespmem:s6+$0x10] =	vst v4  }
0xd1: {  	v1 =	vmul.f32 v5, v1;
	[tilespmem:s6+$0xFFFFFFE0] =	vst v3  }
0xd2: {  	s11 =	sshra.s32 s5, $0x2;
	[tilespmem:s6+$0xFFFFFFF0] =	vst v2  }
0xd3: {  	s8 =	sadd.s32 $0x2710, s11;
	[tilespmem:s6+$0x0] =	vst v1  }
0xd4: {  	[spmem:s2] =	stream.indirect.scatter.add.f32 [tilespmem:s21], [sflag:$0x3], $0x40, s8, s23, $0xb8;
	[tilespmem:$0x144B0] =	vst v63  }
0xd5: {  	_ =	swait.ge [sflag:s17], $0xA00  }
0xd6: {  	[sflag:s17] =	ssyncset.done $0x0  }
0xd7: {  	p0 =	seq.s32 s1, $0x7C;
	[sflag:s17] =	ssyncadd.s32 $0xFFFFF600  }
0xd8: {  	s5 =	sshra.s32 @!p0 s5, $0x2;
	s11 =	sadd.s32 $0x0, s0;
	_ =	swait.ge [sflag:s25], $0xA00  }
0xd9: {  	s5 =	sadd.s32 @!p0 $0x50, s5;
	v1 =	vmov s11;
	[sflag:s25] =	ssyncset.done $0x0  }
0xda: {  	s6 =	simm.s32 @!p0 $0x28;
	s8 =	simm.s32 @!p0 $0x7530;
	[sflag:s25] =	ssyncadd.s32 $0xFFFFF600  }
0xdb: {  	[tilespmem:s8], [sflag:$0x1] =	stream.indirect.gather @!p0 [hbm4b:s10+s6], $0x40, s5, s6, $0xb8;
	[tilespmem:$0x144B0] =	vst v63  }
0xdc: {  	s5 =	simm.s32 $0x7F60  }
0xdd: {  	v4 =	vld [tilespmem:s5+$0xFFFFFFE0]  }
0xde: {  	v1 =	vld.idx.msk [tilespmem:v1+s19+$0x0], $0xffff  }
0xdf: {  	v5 =	vld [tilespmem:s5+$0xFFFFFFD0]  }
0xe0: {  	v2 =	vld [tilespmem:s5+$0xFFFFFFF0]  }
0xe1: {  	v3 =	vld [tilespmem:s5+$0x0];
	_ =	sdelay $0x3  }
0xe2: {  	s11 =	sadd.s32 $0x1, s0;
	s8 =	simm.s32 $0x2;
	s6 =	simm.s32 $0x7F60;
	v5 =	vmul.f32 v5, v1;
	v4 =	vmul.f32 v4, v1  }
.LBB2_13:
0xe3: {  	p0 =	sne.s32 s8, $0x27;
	v6 =	vmov s11;
	v7 =	vmul.f32 v2, v1;
	v1 =	vmul.f32 v3, v1  }
0xe4: {  	[tilespmem:s5+$0xFFFFFFD0] =	vst v5  }
0xe5: {  	s5 =	sadd.s32 $0x40, s5;
	[tilespmem:s6+$0xFFFFFFE0] =	vst v4  }
0xe6: {  	v2 =	vld [tilespmem:s5+$0xFFFFFFF0];
	[tilespmem:s6+$0xFFFFFFF0] =	vst v7  }
0xe7: {  	v4 =	vld [tilespmem:s5+$0xFFFFFFE0];
	[tilespmem:s6+$0x0] =	vst v1;
	s6 =	smov.u32 s5  }
0xe8: {  	v1 =	vld.idx.msk [tilespmem:v6+s19+$0x0], $0xffff  }
0xe9: {  	v5 =	vld [tilespmem:s5+$0xFFFFFFD0]  }
.Ltmp5:
0xea: {  	v3 =	vld [tilespmem:s5+$0x0];
	(pc) =	sbr.rel @p0 .LBB2_13-.Ltmp5, $2  }
0xeb: {  	_ =	sdelay $0x2  }
0xec: {  	s11 =	sadd.s32 s8, s0;
	s8 =	sadd.s32 $0x1, s8;
	v4 =	vmul.f32 v4, v1;
	v5 =	vmul.f32 v5, v1  }
0xed: {  	v62 =	vmov s11  }
0xee: {  	v2 =	vmul.f32 v2, v1;
	[tilespmem:s5+$0xFFFFFFD0] =	vst v5  }
0xef: {  	s11 =	sadd.s32 $0x40, s5;
	v1 =	vmul.f32 v3, v1;
	[tilespmem:s6+$0xFFFFFFE0] =	vst v4  }
0xf0: {  	v4 =	vld [tilespmem:s11+$0xFFFFFFF0];
	[tilespmem:s6+$0xFFFFFFF0] =	vst v2  }
0xf1: {  	v2 =	vld [tilespmem:s11+$0xFFFFFFE0];
	[tilespmem:s6+$0x0] =	vst v1  }
0xf2: {  	v1 =	vld.idx.msk [tilespmem:v62+s19+$0x0], $0xffff  }
0xf3: {  	v3 =	vld [tilespmem:s11+$0xFFFFFFD0];
	_ =	sdelay $0x2  }
0xf4: {  	v63 =	vld [tilespmem:s11+$0x0];
	_ =	sdelay $0x1  }
0xf5: {  	v3 =	vmul.f32 v3, v1  }
0xf6: {  	v2 =	vmul.f32 v2, v1  }
0xf7: {  	v4 =	vmul.f32 v4, v1;
	[tilespmem:s11+$0xFFFFFFD0] =	vst v3  }
0xf8: {  	s1 =	sadd.s32 $0x1, s1;
	v1 =	vmul.f32 v63, v1;
	[tilespmem:s11+$0xFFFFFFE0] =	vst v2  }
0xf9: {  	p0 =	sne.s32 s1, $0x7D;
	[tilespmem:s11+$0xFFFFFFF0] =	vst v4  }
.Ltmp6:
0xfa: {  	s4 =	sadd.s32 $0x2710, s4;
	[tilespmem:s11+$0x0] =	vst v1;
	(pc) =	sbr.rel @p0 .LBB2_10-.Ltmp6, $4  }
0xfb: {  	[spmem:s2] =	stream.indirect.scatter.add.f32 [tilespmem:s24], [sflag:$0x3], $0x40, s4, s23, $0xb8;
	[tilespmem:$0x144B0] =	vst v63  }
0xfc: {  	_ =	swait.ge [sflag:s17], $0xA00  }
0xfd: {  	[sflag:s17] =	ssyncset.done $0x0  }
0xfe: {  	s18 =	sadd.s32 $0x50, s18;
	s0 =	sadd.s32 $0x50, s0;
	[sflag:s17] =	ssyncadd.s32 $0xFFFFF600  }
0xff: {  	s29 =	sadd.s32 $0x1, s29  }
0x100: {  	[bflag:$0x0] =	sbarrier.arrive $0xFFFF;
	p0 =	sne.s32 s29, s12  }
.Ltmp7:
0x101: {  	s0 =	rddreg [dreg:$0x9];
	(pc) =	sbr.rel @p0 .LBB2_1-.Ltmp7, $4  }
0x102: {  	[hbm:s0@s26], [sflag:s30] =	dma.strided [spmem:s31@s28], $0x1388, s22, $0x8   }
0x103: {  	_ =	swait.ge [sflag:s17], $0x1388  }
0x104: {  	[sflag:s17] =	ssyncset.done $0x0  }
0x105: {  	[sflag:s17] =	ssyncadd.s32 $0xFFFFEC78  }
0x106: {  	_ =	sfence.sel $0x180000  }
0x107: {  	[bflag:$0x0] =	sbarrier.arrive $0xFFFF  }
0x108: {  	_ =	strace $0x90000047  }
0x109: {  	s0 =	stileid.u32;
	[bflag:$0x2] =	sbarrier.arrive $0xFFFF  }
0x10a: {  	p0 =	sne.s32 s0, $0x0;
	s0 =	rddreg [dreg:$0x4]  }
0x10b: {  	s0 =	sadd.s32 @!p0 $0x100000, s0  }
0x10c: {  	[sflag:s0] =	ssyncadd.tile.s32 @!p0 $0x1;
	_ =	shalt  }
.Lfunc_end2:
_tile_overlayer_lowered:
.L_overlay_start_2:
0x10d: {  	(tag) =	ssettag $0x2  }
0x10e: {  	s0 =	rddreg [dreg:$0x0];
	s2 =	stileid.u32  }
0x10f: {  	s1 =	rddreg [dreg:$0x1];
	p0 =	sne.s32 s2, $0x0  }
0x110: {  	s3 =	rddreg [dreg:$0x2];
	[bflag:$0x3] =	sbarrier.arrive $0xFFFF;
	s2 =	simm.s32 @!p0 $0x1C03  }
0x111: {  	[timem:s3], [sflag:s2] =	dma.local @!p0 [hbm:s0], s1  }
0x112: {  	s0 =	simm.s32 @!p0 $0x3  }
0x113: {  	_ =	swait.ge @!p0 [sflag:s0], s1  }
0x114: {  	s1 =	ssub.s32 @!p0 $0x0, s1;
	[sflag:s0] =	ssyncset.done @!p0 $0x0  }
0x115: {  	[sflag:s0] =	ssyncadd.s32 @!p0 s1  }
0x116: {  	[bflag:$0x3] =	sbarrier.arrive $0xFFFF  }
0x117: {  	_ =	shalt  }

</sc_bundles>
